<compile_context>
chip_gen: v7x
topology: tpu7x:2x2x1
jax: 0.10.2.dev20260603
libtpu: 0.0.44.dev20260713+nightly
codegen_flags: <defaults>
</compile_context>

<pallas_src>
import dataclasses
import functools

import jax
import jax.numpy as jnp
from jax import lax
from jax.experimental import pallas as pl
from jax.experimental.pallas import tpu as pltpu
from jax.experimental.pallas import tpu_sc as plsc

_NP = 5120
_L = 16
_NCHB = _NP // _L
_CAP = 5024
_NEG = -1e30


def _scores_kernel(cls_ref, s_ref, l_ref):
    x = cls_ref[0]
    s_ref[0] = jnp.max(x, axis=-1, keepdims=True)
    l_ref[0] = jnp.argmax(x, axis=-1, keepdims=True).astype(jnp.int32)


def _decode_rows(reg, anch, wf, hf):
    al, at, ar, ab = anch[0:1], anch[1:2], anch[2:3], anch[3:4]
    xr, yr, wr, hr = reg[0:1], reg[1:2], reg[2:3], reg[3:4]
    wa = ar - al
    ha = ab - at
    cxa = al + wa / 2
    cya = at + ha / 2
    cx = cxa + xr * wa
    cy = cya + yr * ha
    wt = wa * jnp.exp(wr)
    ht = ha * jnp.exp(hr)
    l = cx - wt / 2
    t = cy - ht / 2
    r = l + wt
    b = t + ht
    l = jnp.clip(l, 0.0, wf - 1.0)
    r = jnp.clip(r, 0.0, wf - 1.0)
    t = jnp.clip(t, 0.0, hf - 1.0)
    b = jnp.clip(b, 0.0, hf - 1.0)
    return l, t, r, b


def _prep_kernel(sizes_ref, thr_ref, s_row_ref, l_row_ref, reg_row_ref,
                 anch_row_ref, data_ref):
    i = pl.program_id(0)
    hf = sizes_ref[i, 0].astype(jnp.float32)
    wf = sizes_ref[i, 1].astype(jnp.float32)
    l, t, r, b = _decode_rows(reg_row_ref[0], anch_row_ref[0], wf, hf)
    m1 = jnp.maximum(jnp.maximum(jnp.max(l), jnp.max(t)),
                     jnp.maximum(jnp.max(r), jnp.max(b))) + 1.0
    s_row = s_row_ref[0]
    labf = l_row_ref[0].astype(jnp.float32)
    off = labf * m1
    valid = s_row >= thr_ref[0]
    labm = jnp.where(valid, labf, jnp.full_like(labf, -1.0))
    data_ref[0] = jnp.concatenate(
        [l + off, t + off, r + off, b + off, s_row, labm], axis=0)


def _sc_nms_body(data_hbm, thr_hbm, keep_hbm,
                 st_ol, st_ot, st_or, st_ob, st_sc, st_lab,
                 olm, otm, orm, obm, scm, idxm, alivem,
                 keepfull, tmpm, thrv, spmem):
    core = lax.axis_index("c")
    s = lax.axis_index("s")
    lb = s // 8
    off_c = s % 8
    b = core * 2 + lb

    pltpu.sync_copy(thr_hbm, thrv)
    pltpu.sync_copy(data_hbm.at[b, 0], st_ol)
    pltpu.sync_copy(data_hbm.at[b, 1], st_ot)
    pltpu.sync_copy(data_hbm.at[b, 2], st_or)
    pltpu.sync_copy(data_hbm.at[b, 3], st_ob)
    pltpu.sync_copy(data_hbm.at[b, 4], st_sc)
    pltpu.sync_copy(data_hbm.at[b, 5], st_lab)
    nthv = thrv[...]

    zero16i = jnp.zeros((_L,), jnp.int32)

    def zf(k, _):
        keepfull[pl.ds(k * _L, _L)] = zero16i
        return 0

    lax.fori_loop(0, _NCHB, zf, 0)

    iota = lax.iota(jnp.int32, _L)

    @pl.loop(0, 10)
    def _class_loop(kk):
        c = off_c + 8 * kk
        cvec = jnp.full((_L,), c.astype(jnp.float32))

        def comp(k, cnt):
            sl = pl.ds(k * _L, _L)
            msk = st_lab[sl] == cvec
            dc = jnp.max(plsc.all_reduce_population_count(msk))

            @pl.when(dc > 0)
            def _store():
                cum = plsc.cumsum(msk.astype(jnp.int32))
                pos = jnp.where(msk, jnp.full((_L,), cnt) + cum - 1,
                                jnp.full((_L,), _CAP - 1))
                plsc.store_scatter(olm, [pos], st_ol[sl])
                plsc.store_scatter(otm, [pos], st_ot[sl])
                plsc.store_scatter(orm, [pos], st_or[sl])
                plsc.store_scatter(obm, [pos], st_ob[sl])
                plsc.store_scatter(scm, [pos], st_sc[sl])
                plsc.store_scatter(idxm, [pos], iota + k * _L)

            return cnt + dc

        m = lax.fori_loop(0, _NCHB, comp, jnp.int32(0))
        nch = (m + _L - 1) // _L
        mv = jnp.full((_L,), m)

        def ainit(k, _):
            alivem[pl.ds(k * _L, _L)] = jnp.where(
                iota + k * _L < mv, jnp.full((_L,), 1.0), jnp.full((_L,), 0.0))
            return 0

        lax.fori_loop(0, nch, ainit, 0)

        def first_scan(k, carry):
            best, bch = carry
            sl = pl.ds(k * _L, _L)
            cm = jnp.max(jnp.where(alivem[sl] > 0.5, scm[sl],
                                   jnp.full((_L,), _NEG)))
            take = cm > best
            return (jnp.where(take, cm, best), jnp.where(take, k, bch))

        best0 = lax.fori_loop(0, nch, first_scan,
                              (jnp.float32(_NEG), jnp.int32(0)))

        def wcond(st):
            return st[0] > jnp.float32(-1e29)

        def wbody(st):
            best, bch = st
            sl = pl.ds(bch * _L, _L)
            msk = (scm[sl] == jnp.full((_L,), best)) & (alivem[sl] > 0.5)
            lane = jnp.max(plsc.all_reduce_ffs(msk))
            widx = bch * _L + lane
            wvec = jnp.full((_L,), widx)
            worig = jnp.max(plsc.load_gather(idxm, [wvec]))
            plsc.store_scatter(keepfull, [jnp.full((_L,), worig)],
                               jnp.full((_L,), 1, jnp.int32))
            wl = plsc.load_gather(olm, [wvec])
            wt = plsc.load_gather(otm, [wvec])
            wr = plsc.load_gather(orm, [wvec])
            wb = plsc.load_gather(obm, [wvec])
            wa = (jnp.maximum(wr - wl, 0.0) * jnp.maximum(wb - wt, 0.0))

            def sscan(k, carry):
                nb, nbc = carry
                sl2 = pl.ds(k * _L, _L)
                li, ti = olm[sl2], otm[sl2]
                ri, bi = orm[sl2], obm[sl2]
                ltx = jnp.maximum(wl, li)
                lty = jnp.maximum(wt, ti)
                rbx = jnp.minimum(wr, ri)
                rby = jnp.minimum(wb, bi)
                wx = jnp.maximum(rbx - ltx, 0.0)
                wy = jnp.maximum(rby - lty, 0.0)
                inter = wx * wy
                ai = (jnp.maximum(ri - li, 0.0) * jnp.maximum(bi - ti, 0.0))
                union = (ai + wa) - inter
                iou = inter / jnp.maximum(union, 1e-9)
                newal = jnp.where(iou > nthv, jnp.full((_L,), 0.0),
                                  alivem[sl2])
                alivem[sl2] = newal
                cm = jnp.max(jnp.where(newal > 0.5, scm[sl2],
                                       jnp.full((_L,), _NEG)))
                take = cm > nb
                return (jnp.where(take, cm, nb), jnp.where(take, k, nbc))

            return lax.fori_loop(0, nch, sscan,
                                 (jnp.float32(_NEG), jnp.int32(0)))

        lax.while_loop(wcond, wbody, best0)

    pltpu.sync_copy(keepfull, spmem.at[s])
    plsc.subcore_barrier()

    @pl.when(off_c == 0)
    def _merge():
        for j in range(1, 8):
            pltpu.sync_copy(spmem.at[s + j], tmpm)

            def om(k, _):
                sl = pl.ds(k * _L, _L)
                keepfull[sl] = keepfull[sl] | tmpm[sl]
                return 0

            lax.fori_loop(0, _NCHB, om, 0)
        pltpu.sync_copy(keepfull, keep_hbm.at[b])


def _final_kernel(sizes_ref, orisz_ref, s_row_ref, l_row_ref, reg_row_ref,
                  anch_row_ref, keep_row_ref,
                  boxes_ref, sco_ref, lab_ref, keep_ref):
    i = pl.program_id(0)
    hf = sizes_ref[i, 0].astype(jnp.float32)
    wf = sizes_ref[i, 1].astype(jnp.float32)
    l, t, r, b = _decode_rows(reg_row_ref[0], anch_row_ref[0], wf, hf)
    s_row = s_row_ref[0]
    lab_row = l_row_ref[0]
    keepb = keep_row_ref[0] > 0
    scale = orisz_ref[i, 0].astype(jnp.float32) / sizes_ref[i, 0].astype(jnp.float32)
    zero = jnp.zeros_like(l)
    boxes_ref[0] = jnp.concatenate(
        [jnp.where(keepb, l * scale, zero),
         jnp.where(keepb, t * scale, zero),
         jnp.where(keepb, r * scale, zero),
         jnp.where(keepb, b * scale, zero)], axis=0)
    sco_ref[0] = jnp.where(keepb, s_row, zero)
    lab_ref[0] = jnp.where(keepb, lab_row, -1)
    keep_ref[0] = keepb.astype(jnp.int32)


def kernel(image_sizes, image_sizes_ori, classifications, regressions,
           anchors, score_thresh, nms_thresh):
    B, n, c = classifications.shape
    s_col, l_col = pl.pallas_call(
        _scores_kernel,
        grid=(B,),
        in_specs=[pl.BlockSpec((1, n, c), lambda i: (i, 0, 0))],
        out_specs=[pl.BlockSpec((1, n, 1), lambda i: (i, 0, 0)),
                   pl.BlockSpec((1, n, 1), lambda i: (i, 0, 0))],
        out_shape=[jax.ShapeDtypeStruct((B, n, 1), jnp.float32),
                   jax.ShapeDtypeStruct((B, n, 1), jnp.int32)],
        compiler_params=pltpu.CompilerParams(dimension_semantics=("parallel",)),
    )(classifications)

    pad = _NP - n
    s_rowp = jnp.pad(s_col, ((0, 0), (0, pad), (0, 0)),
                     constant_values=-jnp.inf).reshape(B, 1, _NP)
    l_rowp = jnp.pad(l_col, ((0, 0), (0, pad), (0, 0))).reshape(B, 1, _NP)
    reg_rowp = jnp.transpose(jnp.pad(regressions, ((0, 0), (0, pad), (0, 0))),
                             (0, 2, 1))
    anch_rowp = jnp.transpose(jnp.pad(anchors, ((0, pad), (0, 0))), (1, 0))[None]
    thr = jnp.stack([jnp.asarray(score_thresh, jnp.float32),
                     jnp.asarray(nms_thresh, jnp.float32)])

    data = pl.pallas_call(
        _prep_kernel,
        grid=(B,),
        in_specs=[
            pl.BlockSpec(memory_space=pltpu.SMEM),
            pl.BlockSpec(memory_space=pltpu.SMEM),
            pl.BlockSpec((1, 1, _NP), lambda i: (i, 0, 0)),
            pl.BlockSpec((1, 1, _NP), lambda i: (i, 0, 0)),
            pl.BlockSpec((1, 4, _NP), lambda i: (i, 0, 0)),
            pl.BlockSpec((1, 4, _NP), lambda i: (0, 0, 0)),
        ],
        out_specs=[pl.BlockSpec((1, 6, _NP), lambda i: (i, 0, 0))],
        out_shape=[jax.ShapeDtypeStruct((B, 6, _NP), jnp.float32)],
        compiler_params=pltpu.CompilerParams(dimension_semantics=("parallel",)),
    )(image_sizes, thr, s_rowp, l_rowp, reg_rowp, anch_rowp)[0]

    thrvec = jnp.full((_L,), jnp.asarray(nms_thresh, jnp.float32))
    mesh = plsc.VectorSubcoreMesh(core_axis_name="c", subcore_axis_name="s")
    cp = pltpu.CompilerParams()
    if "needs_layout_passes" in pltpu.CompilerParams.__dataclass_fields__:
        cp = dataclasses.replace(cp, needs_layout_passes=False)
    sc_nms = functools.partial(
        pl.kernel, mesh=mesh, compiler_params=cp,
        out_type=jax.ShapeDtypeStruct((B, _NP), jnp.int32),
        scratch_types=[pltpu.VMEM((_NP,), jnp.float32)] * 6
        + [pltpu.VMEM((_CAP,), jnp.float32)] * 5
        + [pltpu.VMEM((_CAP,), jnp.int32),
           pltpu.VMEM((_CAP,), jnp.float32),
           pltpu.VMEM((_NP,), jnp.int32),
           pltpu.VMEM((_NP,), jnp.int32),
           pltpu.VMEM((_L,), jnp.float32),
           pltpu.VMEM_SHARED((16, _NP), jnp.int32)],
    )(_sc_nms_body)
    keep_sc = sc_nms(data, thrvec)

    keep_rowp = keep_sc.reshape(B, 1, _NP)
    boxes4, sco, lab, keepi = pl.pallas_call(
        _final_kernel,
        grid=(B,),
        in_specs=[
            pl.BlockSpec(memory_space=pltpu.SMEM),
            pl.BlockSpec(memory_space=pltpu.SMEM),
            pl.BlockSpec((1, 1, _NP), lambda i: (i, 0, 0)),
            pl.BlockSpec((1, 1, _NP), lambda i: (i, 0, 0)),
            pl.BlockSpec((1, 4, _NP), lambda i: (i, 0, 0)),
            pl.BlockSpec((1, 4, _NP), lambda i: (0, 0, 0)),
            pl.BlockSpec((1, 1, _NP), lambda i: (i, 0, 0)),
        ],
        out_specs=[pl.BlockSpec((1, 4, _NP), lambda i: (i, 0, 0)),
                   pl.BlockSpec((1, 1, _NP), lambda i: (i, 0, 0)),
                   pl.BlockSpec((1, 1, _NP), lambda i: (i, 0, 0)),
                   pl.BlockSpec((1, 1, _NP), lambda i: (i, 0, 0))],
        out_shape=[jax.ShapeDtypeStruct((B, 4, _NP), jnp.float32),
                   jax.ShapeDtypeStruct((B, 1, _NP), jnp.float32),
                   jax.ShapeDtypeStruct((B, 1, _NP), jnp.int32),
                   jax.ShapeDtypeStruct((B, 1, _NP), jnp.int32)],
        compiler_params=pltpu.CompilerParams(dimension_semantics=("parallel",)),
    )(image_sizes, image_sizes_ori, s_rowp, l_rowp, reg_rowp, anch_rowp,
      keep_rowp)

    boxes = jnp.transpose(boxes4, (0, 2, 1))[:, :n, :]
    scores = sco[:, 0, :n]
    labels = lab[:, 0, :n]
    keep = keepi[:, 0, :n].astype(bool)
    return boxes, scores, labels, keep

# --- scband reference (transcript-rebuilt; emitter-appended) ---
"""Pipeline reference for scband-post-process-36593121362043 (READ-ONLY COPY).

The authoritative reference and input builder live on the scoring server;
editing this copy changes nothing except your own understanding.
"""

import jax, jax.numpy as jnp
import numpy as np


def ltrb_to_cxcywh(boxes):
    l, t, r, b = boxes[..., 0], boxes[..., 1], boxes[..., 2], boxes[..., 3]
    w = r - l
    h = b - t
    return l + w / 2, t + h / 2, w, h


def cxcywh_to_ltrb(cx, cy, w, h):
    l = cx - w / 2
    t = cy - h / 2
    return jnp.stack([l, t, l + w, t + h], axis=-1)


def decode_boxes(reg, anchors):
    cx_a, cy_a, w_a, h_a = ltrb_to_cxcywh(anchors)
    x_reg, y_reg, w_reg, h_reg = reg[..., 0], reg[..., 1], reg[..., 2], reg[..., 3]
    cx_t = cx_a + x_reg * w_a
    cy_t = cy_a + y_reg * h_a
    w_t = w_a * jnp.exp(w_reg)
    h_t = h_a * jnp.exp(h_reg)
    return cxcywh_to_ltrb(cx_t, cy_t, w_t, h_t)


def clip_boxes_to_image(boxes, height, width):
    bx = jnp.clip(boxes[..., 0::2], 0.0, width - 1.0)
    by = jnp.clip(boxes[..., 1::2], 0.0, height - 1.0)
    return jnp.stack([bx[..., 0], by[..., 0], bx[..., 1], by[..., 1]], axis=-1)


def pairwise_iou(b):
    area = jnp.clip(b[:, 2] - b[:, 0], 0.0, None) * jnp.clip(b[:, 3] - b[:, 1], 0.0, None)
    lt = jnp.maximum(b[:, None, :2], b[None, :, :2])
    rb = jnp.minimum(b[:, None, 2:], b[None, :, 2:])
    wh = jnp.clip(rb - lt, 0.0, None)
    inter = wh[..., 0] * wh[..., 1]
    union = area[:, None] + area[None, :] - inter
    return inter / jnp.maximum(union, 1e-9)


def nms_keep_mask(boxes, scores, valid, iou_thresh):
    n = boxes.shape[0]
    masked_scores = jnp.where(valid, scores, -jnp.inf)
    order = jnp.argsort(-masked_scores)
    b_sorted = boxes[order]
    v_sorted = valid[order]
    iou = pairwise_iou(b_sorted)
    idx = jnp.arange(n)

    def body(i, keep):
        suppressed = jnp.any((iou[i] > iou_thresh) & keep & (idx < i))
        return keep.at[i].set(v_sorted[i] & jnp.logical_not(suppressed))

    keep_sorted = jax.lax.fori_loop(0, n, body, jnp.zeros((n,), dtype=bool))
    inv = jnp.argsort(order)
    return keep_sorted[inv]


def setup_inputs(seed: int = 0) -> dict:
    key = jax.random.key(seed)
    ks = jax.random.split(key, 6)
    B, N, C = 4, 5000, 80
    H, W = 640, 640
    classifications = jax.random.uniform(ks[0], (B, N, C), dtype=jnp.float32)
    regressions = jax.random.normal(ks[1], (B, N, 4), dtype=jnp.float32) * 0.1
    cx = jax.random.uniform(ks[2], (N,), minval=0.0, maxval=float(W), dtype=jnp.float32)
    cy = jax.random.uniform(ks[3], (N,), minval=0.0, maxval=float(H), dtype=jnp.float32)
    wa = jax.random.uniform(ks[4], (N,), minval=16.0, maxval=128.0, dtype=jnp.float32)
    ha = jax.random.uniform(ks[5], (N,), minval=16.0, maxval=128.0, dtype=jnp.float32)
    anchors = jnp.stack([cx - wa / 2, cy - ha / 2, cx + wa / 2, cy + ha / 2], axis=-1)
    image_sizes = jnp.array([[H, W]] * B, dtype=jnp.int32)
    image_sizes_ori = jnp.array([[1333, 1333]] * B, dtype=jnp.int32)
    return {
        "image_sizes": image_sizes,
        "image_sizes_ori": image_sizes_ori,
        "classifications": classifications,
        "regressions": regressions,
        "anchors": anchors,
        "score_thresh": 0.5,
        "nms_thresh": 0.5,
    }


def reference(image_sizes, image_sizes_ori, classifications, regressions, anchors, score_thresh, nms_thresh):
    bsz = classifications.shape[0]
    all_boxes, all_scores, all_labels, all_keep = [], [], [], []
    for i in range(bsz):
        cls_i = classifications[i]
        scores = jnp.max(cls_i, axis=-1)
        labels = jnp.argmax(cls_i, axis=-1)
        valid = scores >= score_thresh
        boxes = decode_boxes(regressions[i], anchors)
        h = image_sizes[i, 0].astype(jnp.float32)
        w = image_sizes[i, 1].astype(jnp.float32)
        boxes = clip_boxes_to_image(boxes, h, w)
        max_coord = jnp.max(boxes)
        offsets = labels.astype(boxes.dtype) * (max_coord + 1.0)
        keep = nms_keep_mask(boxes + offsets[:, None], scores, valid, nms_thresh)
        scale = image_sizes_ori[i, 0].astype(jnp.float32) / image_sizes[i, 0].astype(jnp.float32)
        boxes = boxes * scale
        boxes = jnp.where(keep[:, None], boxes, 0.0)
        scores = jnp.where(keep, scores, 0.0)
        labels = jnp.where(keep, labels, -1)
        all_boxes.append(boxes)
        all_scores.append(scores)
        all_labels.append(labels)
        all_keep.append(keep)
    return (jnp.stack(all_boxes), jnp.stack(all_scores), jnp.stack(all_labels), jnp.stack(all_keep))

if __name__ == "__main__":
    import jax
    _d = setup_inputs()
    print(jax.jit(kernel)(*tuple(_d.values())))

</pallas_src>

<mosaic_0001>
#map = affine_map<(d0, d1) -> (0, 0, 0)>
#map1 = affine_map<(d0, d1) -> (0)>
#map2 = affine_map<(d0, d1) -> (0, 0)>
module attributes {stable_mosaic.version = 14 : i64} {
  func.func @_sc_nms_body(%arg0: i32, %arg1: i32, %arg2: memref<4x6x5120xf32, #tpu.memory_space<hbm>>, %arg3: memref<16xf32, #tpu.memory_space<hbm>>, %arg4: memref<4x5120xi32, #tpu.memory_space<hbm>>, %arg5: memref<5120xf32, #tpu.memory_space<vmem>>, %arg6: memref<5120xf32, #tpu.memory_space<vmem>>, %arg7: memref<5120xf32, #tpu.memory_space<vmem>>, %arg8: memref<5120xf32, #tpu.memory_space<vmem>>, %arg9: memref<5120xf32, #tpu.memory_space<vmem>>, %arg10: memref<5120xf32, #tpu.memory_space<vmem>>, %arg11: memref<5024xf32, #tpu.memory_space<vmem>>, %arg12: memref<5024xf32, #tpu.memory_space<vmem>>, %arg13: memref<5024xf32, #tpu.memory_space<vmem>>, %arg14: memref<5024xf32, #tpu.memory_space<vmem>>, %arg15: memref<5024xf32, #tpu.memory_space<vmem>>, %arg16: memref<5024xi32, #tpu.memory_space<vmem>>, %arg17: memref<5024xf32, #tpu.memory_space<vmem>>, %arg18: memref<5120xi32, #tpu.memory_space<vmem>>, %arg19: memref<5120xi32, #tpu.memory_space<vmem>>, %arg20: memref<16xf32, #tpu.memory_space<vmem>>, %arg21: memref<16x5120xi32, #tpu.memory_space<vmem_shared>>) attributes {dimension_semantics = [#tpu.dimension_semantics<core_parallel>, #tpu.dimension_semantics<subcore_parallel>], iteration_bounds = array<i64: 2, 16>, scalar_prefetch = 0 : i64, scratch_operands = 17 : i64, tpu.core_type = #tpu.core_type<sc_vector_subcore>, window_params = [{transform_indices = #map}, {transform_indices = #map1}, {transform_indices = #map2}]} {
    %jit3A = arith.constant 8 : i32
    %div3A = arith.divsi %arg1, %jit3A : i32
    %sign3A = arith.constant 0 : i32
    %sign3A_0 = arith.cmpi sgt, %arg1, %sign3A : i32
    %sign3A_1 = arith.extui %sign3A_0 : i1 to i32
    %sign3A_2 = arith.constant 0 : i32
    %sign3A_3 = arith.cmpi slt, %arg1, %sign3A_2 : i32
    %sign3A_4 = arith.extui %sign3A_3 : i1 to i32
    %sign3A_5 = arith.subi %sign3A_1, %sign3A_4 : i32
    %sign3A_6 = arith.constant 0 : i32
    %sign3A_7 = arith.cmpi sgt, %jit3A, %sign3A_6 : i32
    %sign3A_8 = arith.extui %sign3A_7 : i1 to i32
    %sign3A_9 = arith.constant 0 : i32
    %sign3A_10 = arith.cmpi slt, %jit3A, %sign3A_9 : i32
    %sign3A_11 = arith.extui %sign3A_10 : i1 to i32
    %sign3A_12 = arith.subi %sign3A_8, %sign3A_11 : i32
    %ne3A = arith.cmpi ne, %sign3A_5, %sign3A_12 : i32
    %rem3A = arith.remsi %arg1, %jit3A : i32
    %ne3A_13 = arith.constant 0 : i32
    %ne3A_14 = arith.cmpi ne, %rem3A, %ne3A_13 : i32
    %and3A = arith.andi %ne3A, %ne3A_14 : i1
    %sub3A = arith.constant 1 : i32
    %sub3A_15 = arith.subi %div3A, %sub3A : i32
    %select_n3A = arith.select %and3A, %sub3A_15, %div3A : i32
    %jit3A_16 = arith.constant 8 : i32
    %eq3A = arith.constant 0 : i32
    %eq3A_17 = arith.cmpi eq, %jit3A_16, %eq3A : i32
    %jit3A_18 = arith.constant 1 : i32
    %select_n3A_19 = arith.select %eq3A_17, %jit3A_18, %jit3A_16 : i32
    %rem3A_20 = arith.remsi %arg1, %select_n3A_19 : i32
    %ne3A_21 = arith.constant 0 : i32
    %ne3A_22 = arith.cmpi ne, %rem3A_20, %ne3A_21 : i32
    %lt3A = arith.constant 0 : i32
    %lt3A_23 = arith.cmpi slt, %rem3A_20, %lt3A : i32
    %lt3A_24 = arith.constant 0 : i32
    %lt3A_25 = arith.cmpi slt, %select_n3A_19, %lt3A_24 : i32
    %ne3A_26 = arith.xori %lt3A_23, %lt3A_25 : i1
    %and3A_27 = arith.andi %ne3A_26, %ne3A_22 : i1
    %add3A = arith.addi %rem3A_20, %select_n3A_19 : i32
    %select_n3A_28 = arith.select %and3A_27, %add3A, %rem3A_20 : i32
    %mul3A = arith.constant 2 : i32
    %mul3A_29 = arith.muli %arg0, %mul3A : i32
    %add3A_30 = arith.addi %mul3A_29, %select_n3A : i32
    "tpu.region"() ({
      %run_scoped3A_52 = tpu.sem_alloc : memref<!tpu.dma_semaphore, #tpu.memory_space<semaphore_mem>>
      tpu.enqueue_dma source(%arg3 : memref<16xf32, #tpu.memory_space<hbm>>) target(%arg20 : memref<16xf32, #tpu.memory_space<vmem>>) target_semaphore(%run_scoped3A_52 : memref<!tpu.dma_semaphore, #tpu.memory_space<semaphore_mem>>)
      tpu.wait_dma2 semaphore(%run_scoped3A_52 : memref<!tpu.dma_semaphore, #tpu.memory_space<semaphore_mem>>) src(%arg3 : memref<16xf32, #tpu.memory_space<hbm>>) dst(%arg20 : memref<16xf32, #tpu.memory_space<vmem>>)
      tpu.yield
    }) : () -> ()
    %run_scoped3A = arith.constant 0 : i32
    "tpu.region"() ({
      %run_scoped3A_52 = tpu.sem_alloc : memref<!tpu.dma_semaphore, #tpu.memory_space<semaphore_mem>>
      %dma_start3A = arith.constant 0 : i32
      %dma_start3A_53 = tpu.memref_slice %arg2[%add3A_30, %run_scoped3A, %dma_start3A] : memref<4x6x5120xf32, #tpu.memory_space<hbm>> -> memref<1x1x5120xf32, #tpu.memory_space<hbm>>
      %dma_start3A_54 = tpu.memref_squeeze %dma_start3A_53 : memref<1x1x5120xf32, #tpu.memory_space<hbm>> -> memref<5120xf32, #tpu.memory_space<hbm>>
      %dma_start3A_55 = arith.constant 0 : i32
      %dma_start3A_56 = tpu.memref_slice %arg2[%add3A_30, %run_scoped3A, %dma_start3A_55] : memref<4x6x5120xf32, #tpu.memory_space<hbm>> -> memref<1x1x5120xf32, #tpu.memory_space<hbm>>
      %dma_start3A_57 = tpu.memref_squeeze %dma_start3A_56 : memref<1x1x5120xf32, #tpu.memory_space<hbm>> -> memref<5120xf32, #tpu.memory_space<hbm>>
      tpu.enqueue_dma source(%dma_start3A_57 : memref<5120xf32, #tpu.memory_space<hbm>>) target(%arg5 : memref<5120xf32, #tpu.memory_space<vmem>>) target_semaphore(%run_scoped3A_52 : memref<!tpu.dma_semaphore, #tpu.memory_space<semaphore_mem>>)
      %dma_wait3A = arith.constant 0 : i32
      %dma_wait3A_58 = tpu.memref_slice %arg2[%add3A_30, %run_scoped3A, %dma_wait3A] : memref<4x6x5120xf32, #tpu.memory_space<hbm>> -> memref<1x1x5120xf32, #tpu.memory_space<hbm>>
      %dma_wait3A_59 = tpu.memref_squeeze %dma_wait3A_58 : memref<1x1x5120xf32, #tpu.memory_space<hbm>> -> memref<5120xf32, #tpu.memory_space<hbm>>
      %dma_wait3A_60 = arith.constant 0 : i32
      %dma_wait3A_61 = tpu.memref_slice %arg2[%add3A_30, %run_scoped3A, %dma_wait3A_60] : memref<4x6x5120xf32, #tpu.memory_space<hbm>> -> memref<1x1x5120xf32, #tpu.memory_space<hbm>>
      %dma_wait3A_62 = tpu.memref_squeeze %dma_wait3A_61 : memref<1x1x5120xf32, #tpu.memory_space<hbm>> -> memref<5120xf32, #tpu.memory_space<hbm>>
      tpu.wait_dma2 semaphore(%run_scoped3A_52 : memref<!tpu.dma_semaphore, #tpu.memory_space<semaphore_mem>>) src(%dma_wait3A_62 : memref<5120xf32, #tpu.memory_space<hbm>>) dst(%arg5 : memref<5120xf32, #tpu.memory_space<vmem>>)
      tpu.yield
    }) : () -> ()
    %run_scoped3A_31 = arith.constant 1 : i32
    "tpu.region"() ({
      %run_scoped3A_52 = tpu.sem_alloc : memref<!tpu.dma_semaphore, #tpu.memory_space<semaphore_mem>>
      %dma_start3A = arith.constant 0 : i32
      %dma_start3A_53 = tpu.memref_slice %arg2[%add3A_30, %run_scoped3A_31, %dma_start3A] : memref<4x6x5120xf32, #tpu.memory_space<hbm>> -> memref<1x1x5120xf32, #tpu.memory_space<hbm>>
      %dma_start3A_54 = tpu.memref_squeeze %dma_start3A_53 : memref<1x1x5120xf32, #tpu.memory_space<hbm>> -> memref<5120xf32, #tpu.memory_space<hbm>>
      %dma_start3A_55 = arith.constant 0 : i32
      %dma_start3A_56 = tpu.memref_slice %arg2[%add3A_30, %run_scoped3A_31, %dma_start3A_55] : memref<4x6x5120xf32, #tpu.memory_space<hbm>> -> memref<1x1x5120xf32, #tpu.memory_space<hbm>>
      %dma_start3A_57 = tpu.memref_squeeze %dma_start3A_56 : memref<1x1x5120xf32, #tpu.memory_space<hbm>> -> memref<5120xf32, #tpu.memory_space<hbm>>
      tpu.enqueue_dma source(%dma_start3A_57 : memref<5120xf32, #tpu.memory_space<hbm>>) target(%arg6 : memref<5120xf32, #tpu.memory_space<vmem>>) target_semaphore(%run_scoped3A_52 : memref<!tpu.dma_semaphore, #tpu.memory_space<semaphore_mem>>)
      %dma_wait3A = arith.constant 0 : i32
      %dma_wait3A_58 = tpu.memref_slice %arg2[%add3A_30, %run_scoped3A_31, %dma_wait3A] : memref<4x6x5120xf32, #tpu.memory_space<hbm>> -> memref<1x1x5120xf32, #tpu.memory_space<hbm>>
      %dma_wait3A_59 = tpu.memref_squeeze %dma_wait3A_58 : memref<1x1x5120xf32, #tpu.memory_space<hbm>> -> memref<5120xf32, #tpu.memory_space<hbm>>
      %dma_wait3A_60 = arith.constant 0 : i32
      %dma_wait3A_61 = tpu.memref_slice %arg2[%add3A_30, %run_scoped3A_31, %dma_wait3A_60] : memref<4x6x5120xf32, #tpu.memory_space<hbm>> -> memref<1x1x5120xf32, #tpu.memory_space<hbm>>
      %dma_wait3A_62 = tpu.memref_squeeze %dma_wait3A_61 : memref<1x1x5120xf32, #tpu.memory_space<hbm>> -> memref<5120xf32, #tpu.memory_space<hbm>>
      tpu.wait_dma2 semaphore(%run_scoped3A_52 : memref<!tpu.dma_semaphore, #tpu.memory_space<semaphore_mem>>) src(%dma_wait3A_62 : memref<5120xf32, #tpu.memory_space<hbm>>) dst(%arg6 : memref<5120xf32, #tpu.memory_space<vmem>>)
      tpu.yield
    }) : () -> ()
    %run_scoped3A_32 = arith.constant 2 : i32
    "tpu.region"() ({
      %run_scoped3A_52 = tpu.sem_alloc : memref<!tpu.dma_semaphore, #tpu.memory_space<semaphore_mem>>
      %dma_start3A = arith.constant 0 : i32
      %dma_start3A_53 = tpu.memref_slice %arg2[%add3A_30, %run_scoped3A_32, %dma_start3A] : memref<4x6x5120xf32, #tpu.memory_space<hbm>> -> memref<1x1x5120xf32, #tpu.memory_space<hbm>>
      %dma_start3A_54 = tpu.memref_squeeze %dma_start3A_53 : memref<1x1x5120xf32, #tpu.memory_space<hbm>> -> memref<5120xf32, #tpu.memory_space<hbm>>
      %dma_start3A_55 = arith.constant 0 : i32
      %dma_start3A_56 = tpu.memref_slice %arg2[%add3A_30, %run_scoped3A_32, %dma_start3A_55] : memref<4x6x5120xf32, #tpu.memory_space<hbm>> -> memref<1x1x5120xf32, #tpu.memory_space<hbm>>
      %dma_start3A_57 = tpu.memref_squeeze %dma_start3A_56 : memref<1x1x5120xf32, #tpu.memory_space<hbm>> -> memref<5120xf32, #tpu.memory_space<hbm>>
      tpu.enqueue_dma source(%dma_start3A_57 : memref<5120xf32, #tpu.memory_space<hbm>>) target(%arg7 : memref<5120xf32, #tpu.memory_space<vmem>>) target_semaphore(%run_scoped3A_52 : memref<!tpu.dma_semaphore, #tpu.memory_space<semaphore_mem>>)
      %dma_wait3A = arith.constant 0 : i32
      %dma_wait3A_58 = tpu.memref_slice %arg2[%add3A_30, %run_scoped3A_32, %dma_wait3A] : memref<4x6x5120xf32, #tpu.memory_space<hbm>> -> memref<1x1x5120xf32, #tpu.memory_space<hbm>>
      %dma_wait3A_59 = tpu.memref_squeeze %dma_wait3A_58 : memref<1x1x5120xf32, #tpu.memory_space<hbm>> -> memref<5120xf32, #tpu.memory_space<hbm>>
      %dma_wait3A_60 = arith.constant 0 : i32
      %dma_wait3A_61 = tpu.memref_slice %arg2[%add3A_30, %run_scoped3A_32, %dma_wait3A_60] : memref<4x6x5120xf32, #tpu.memory_space<hbm>> -> memref<1x1x5120xf32, #tpu.memory_space<hbm>>
      %dma_wait3A_62 = tpu.memref_squeeze %dma_wait3A_61 : memref<1x1x5120xf32, #tpu.memory_space<hbm>> -> memref<5120xf32, #tpu.memory_space<hbm>>
      tpu.wait_dma2 semaphore(%run_scoped3A_52 : memref<!tpu.dma_semaphore, #tpu.memory_space<semaphore_mem>>) src(%dma_wait3A_62 : memref<5120xf32, #tpu.memory_space<hbm>>) dst(%arg7 : memref<5120xf32, #tpu.memory_space<vmem>>)
      tpu.yield
    }) : () -> ()
    %run_scoped3A_33 = arith.constant 3 : i32
    "tpu.region"() ({
      %run_scoped3A_52 = tpu.sem_alloc : memref<!tpu.dma_semaphore, #tpu.memory_space<semaphore_mem>>
      %dma_start3A = arith.constant 0 : i32
      %dma_start3A_53 = tpu.memref_slice %arg2[%add3A_30, %run_scoped3A_33, %dma_start3A] : memref<4x6x5120xf32, #tpu.memory_space<hbm>> -> memref<1x1x5120xf32, #tpu.memory_space<hbm>>
      %dma_start3A_54 = tpu.memref_squeeze %dma_start3A_53 : memref<1x1x5120xf32, #tpu.memory_space<hbm>> -> memref<5120xf32, #tpu.memory_space<hbm>>
      %dma_start3A_55 = arith.constant 0 : i32
      %dma_start3A_56 = tpu.memref_slice %arg2[%add3A_30, %run_scoped3A_33, %dma_start3A_55] : memref<4x6x5120xf32, #tpu.memory_space<hbm>> -> memref<1x1x5120xf32, #tpu.memory_space<hbm>>
      %dma_start3A_57 = tpu.memref_squeeze %dma_start3A_56 : memref<1x1x5120xf32, #tpu.memory_space<hbm>> -> memref<5120xf32, #tpu.memory_space<hbm>>
      tpu.enqueue_dma source(%dma_start3A_57 : memref<5120xf32, #tpu.memory_space<hbm>>) target(%arg8 : memref<5120xf32, #tpu.memory_space<vmem>>) target_semaphore(%run_scoped3A_52 : memref<!tpu.dma_semaphore, #tpu.memory_space<semaphore_mem>>)
      %dma_wait3A = arith.constant 0 : i32
      %dma_wait3A_58 = tpu.memref_slice %arg2[%add3A_30, %run_scoped3A_33, %dma_wait3A] : memref<4x6x5120xf32, #tpu.memory_space<hbm>> -> memref<1x1x5120xf32, #tpu.memory_space<hbm>>
      %dma_wait3A_59 = tpu.memref_squeeze %dma_wait3A_58 : memref<1x1x5120xf32, #tpu.memory_space<hbm>> -> memref<5120xf32, #tpu.memory_space<hbm>>
      %dma_wait3A_60 = arith.constant 0 : i32
      %dma_wait3A_61 = tpu.memref_slice %arg2[%add3A_30, %run_scoped3A_33, %dma_wait3A_60] : memref<4x6x5120xf32, #tpu.memory_space<hbm>> -> memref<1x1x5120xf32, #tpu.memory_space<hbm>>
      %dma_wait3A_62 = tpu.memref_squeeze %dma_wait3A_61 : memref<1x1x5120xf32, #tpu.memory_space<hbm>> -> memref<5120xf32, #tpu.memory_space<hbm>>
      tpu.wait_dma2 semaphore(%run_scoped3A_52 : memref<!tpu.dma_semaphore, #tpu.memory_space<semaphore_mem>>) src(%dma_wait3A_62 : memref<5120xf32, #tpu.memory_space<hbm>>) dst(%arg8 : memref<5120xf32, #tpu.memory_space<vmem>>)
      tpu.yield
    }) : () -> ()
    %run_scoped3A_34 = arith.constant 4 : i32
    "tpu.region"() ({
      %run_scoped3A_52 = tpu.sem_alloc : memref<!tpu.dma_semaphore, #tpu.memory_space<semaphore_mem>>
      %dma_start3A = arith.constant 0 : i32
      %dma_start3A_53 = tpu.memref_slice %arg2[%add3A_30, %run_scoped3A_34, %dma_start3A] : memref<4x6x5120xf32, #tpu.memory_space<hbm>> -> memref<1x1x5120xf32, #tpu.memory_space<hbm>>
      %dma_start3A_54 = tpu.memref_squeeze %dma_start3A_53 : memref<1x1x5120xf32, #tpu.memory_space<hbm>> -> memref<5120xf32, #tpu.memory_space<hbm>>
      %dma_start3A_55 = arith.constant 0 : i32
      %dma_start3A_56 = tpu.memref_slice %arg2[%add3A_30, %run_scoped3A_34, %dma_start3A_55] : memref<4x6x5120xf32, #tpu.memory_space<hbm>> -> memref<1x1x5120xf32, #tpu.memory_space<hbm>>
      %dma_start3A_57 = tpu.memref_squeeze %dma_start3A_56 : memref<1x1x5120xf32, #tpu.memory_space<hbm>> -> memref<5120xf32, #tpu.memory_space<hbm>>
      tpu.enqueue_dma source(%dma_start3A_57 : memref<5120xf32, #tpu.memory_space<hbm>>) target(%arg9 : memref<5120xf32, #tpu.memory_space<vmem>>) target_semaphore(%run_scoped3A_52 : memref<!tpu.dma_semaphore, #tpu.memory_space<semaphore_mem>>)
      %dma_wait3A = arith.constant 0 : i32
      %dma_wait3A_58 = tpu.memref_slice %arg2[%add3A_30, %run_scoped3A_34, %dma_wait3A] : memref<4x6x5120xf32, #tpu.memory_space<hbm>> -> memref<1x1x5120xf32, #tpu.memory_space<hbm>>
      %dma_wait3A_59 = tpu.memref_squeeze %dma_wait3A_58 : memref<1x1x5120xf32, #tpu.memory_space<hbm>> -> memref<5120xf32, #tpu.memory_space<hbm>>
      %dma_wait3A_60 = arith.constant 0 : i32
      %dma_wait3A_61 = tpu.memref_slice %arg2[%add3A_30, %run_scoped3A_34, %dma_wait3A_60] : memref<4x6x5120xf32, #tpu.memory_space<hbm>> -> memref<1x1x5120xf32, #tpu.memory_space<hbm>>
      %dma_wait3A_62 = tpu.memref_squeeze %dma_wait3A_61 : memref<1x1x5120xf32, #tpu.memory_space<hbm>> -> memref<5120xf32, #tpu.memory_space<hbm>>
      tpu.wait_dma2 semaphore(%run_scoped3A_52 : memref<!tpu.dma_semaphore, #tpu.memory_space<semaphore_mem>>) src(%dma_wait3A_62 : memref<5120xf32, #tpu.memory_space<hbm>>) dst(%arg9 : memref<5120xf32, #tpu.memory_space<vmem>>)
      tpu.yield
    }) : () -> ()
    %run_scoped3A_35 = arith.constant 5 : i32
    "tpu.region"() ({
      %run_scoped3A_52 = tpu.sem_alloc : memref<!tpu.dma_semaphore, #tpu.memory_space<semaphore_mem>>
      %dma_start3A = arith.constant 0 : i32
      %dma_start3A_53 = tpu.memref_slice %arg2[%add3A_30, %run_scoped3A_35, %dma_start3A] : memref<4x6x5120xf32, #tpu.memory_space<hbm>> -> memref<1x1x5120xf32, #tpu.memory_space<hbm>>
      %dma_start3A_54 = tpu.memref_squeeze %dma_start3A_53 : memref<1x1x5120xf32, #tpu.memory_space<hbm>> -> memref<5120xf32, #tpu.memory_space<hbm>>
      %dma_start3A_55 = arith.constant 0 : i32
      %dma_start3A_56 = tpu.memref_slice %arg2[%add3A_30, %run_scoped3A_35, %dma_start3A_55] : memref<4x6x5120xf32, #tpu.memory_space<hbm>> -> memref<1x1x5120xf32, #tpu.memory_space<hbm>>
      %dma_start3A_57 = tpu.memref_squeeze %dma_start3A_56 : memref<1x1x5120xf32, #tpu.memory_space<hbm>> -> memref<5120xf32, #tpu.memory_space<hbm>>
      tpu.enqueue_dma source(%dma_start3A_57 : memref<5120xf32, #tpu.memory_space<hbm>>) target(%arg10 : memref<5120xf32, #tpu.memory_space<vmem>>) target_semaphore(%run_scoped3A_52 : memref<!tpu.dma_semaphore, #tpu.memory_space<semaphore_mem>>)
      %dma_wait3A = arith.constant 0 : i32
      %dma_wait3A_58 = tpu.memref_slice %arg2[%add3A_30, %run_scoped3A_35, %dma_wait3A] : memref<4x6x5120xf32, #tpu.memory_space<hbm>> -> memref<1x1x5120xf32, #tpu.memory_space<hbm>>
      %dma_wait3A_59 = tpu.memref_squeeze %dma_wait3A_58 : memref<1x1x5120xf32, #tpu.memory_space<hbm>> -> memref<5120xf32, #tpu.memory_space<hbm>>
      %dma_wait3A_60 = arith.constant 0 : i32
      %dma_wait3A_61 = tpu.memref_slice %arg2[%add3A_30, %run_scoped3A_35, %dma_wait3A_60] : memref<4x6x5120xf32, #tpu.memory_space<hbm>> -> memref<1x1x5120xf32, #tpu.memory_space<hbm>>
      %dma_wait3A_62 = tpu.memref_squeeze %dma_wait3A_61 : memref<1x1x5120xf32, #tpu.memory_space<hbm>> -> memref<5120xf32, #tpu.memory_space<hbm>>
      tpu.wait_dma2 semaphore(%run_scoped3A_52 : memref<!tpu.dma_semaphore, #tpu.memory_space<semaphore_mem>>) src(%dma_wait3A_62 : memref<5120xf32, #tpu.memory_space<hbm>>) dst(%arg10 : memref<5120xf32, #tpu.memory_space<vmem>>)
      tpu.yield
    }) : () -> ()
    %get3A = arith.constant 0 : index
    %get3A_36 = tpu.vector_load %arg20[%get3A] {strides = array<i32>} : memref<16xf32, #tpu.memory_space<vmem>>, vector<16xf32>,
    %broadcast_in_dim3A = arith.constant 0 : i32
    %broadcast_in_dim3A_37 = vector.broadcast %broadcast_in_dim3A : i32 to vector<16xi32>
    %scan3A = arith.constant 0 : i32
    %scan3A_38 = arith.constant 0 : i32
    %scan3A_39 = arith.constant 320 : i32
    %scan3A_40 = arith.addi %scan3A_38, %scan3A_39 : i32
    %scan3A_41 = arith.constant 1 : i32
    %scan3A_42 = scf.for %scan3A_52 = %scan3A_38 to %scan3A_40 step %scan3A_41 iter_args(%scan3A_53 = %scan3A) -> (i32)  : i32 {
      %mul3A_54 = arith.constant 16 : i32
      %mul3A_55 = arith.muli %scan3A_52, %mul3A_54 : i32
      %swap3A = arith.index_cast %mul3A_55 : i32 to index
      %swap3A_56 = tpu.vector_load %arg18[%swap3A] {strides = array<i32>} : memref<5120xi32, #tpu.memory_space<vmem>>, vector<16xi32>,
      tpu.vector_store %arg18[%swap3A], %broadcast_in_dim3A_37 {strides = array<i32>} : memref<5120xi32, #tpu.memory_space<vmem>>, vector<16xi32>,
      %scan3A_57 = arith.constant 0 : i32
      scf.yield %scan3A_57 : i32
    }
    %scan3A_43 = arith.constant 320 : i32
    %iota3A = tpu.iota {dimensions = array<i32: 0>} : vector<16xi32>
    %scan3A_44 = arith.constant 0 : i32
    %scan3A_45 = arith.constant 10 : i32
    %scan3A_46 = arith.addi %scan3A_44, %scan3A_45 : i32
    %scan3A_47 = arith.constant 1 : i32
    scf.for %scan3A_52 = %scan3A_44 to %scan3A_46 step %scan3A_47  : i32 {
      %mul3A_53 = arith.constant 1 : i32
      %mul3A_54 = arith.muli %scan3A_52, %mul3A_53 : i32
      %add3A_55 = arith.constant 0 : i32
      %add3A_56 = arith.addi %add3A_55, %mul3A_54 : i32
      %mul3A_57 = arith.constant 8 : i32
      %mul3A_58 = arith.muli %mul3A_57, %add3A_56 : i32
      %add3A_59 = arith.addi %select_n3A_28, %mul3A_58 : i32
      %convert_element_type3A_60 = arith.sitofp %add3A_59 : i32 to f32
      %broadcast_in_dim3A_61 = vector.broadcast %convert_element_type3A_60 : f32 to vector<16xf32>
      %scan3A_62 = arith.constant 0 : i32
      %scan3A_63 = arith.constant 0 : i32
      %scan3A_64 = arith.constant 320 : i32
      %scan3A_65 = arith.addi %scan3A_63, %scan3A_64 : i32
      %scan3A_66 = arith.constant 1 : i32
      %scan3A_67 = scf.for %scan3A_123 = %scan3A_63 to %scan3A_65 step %scan3A_66 iter_args(%scan3A_124 = %scan3A_62) -> (i32)  : i32 {
        %mul3A_125 = arith.constant 16 : i32
        %mul3A_126 = arith.muli %scan3A_123, %mul3A_125 : i32
        %get3A_127 = arith.index_cast %mul3A_126 : i32 to index
        %get3A_128 = tpu.vector_load %arg10[%get3A_127] {strides = array<i32>} : memref<5120xf32, #tpu.memory_space<vmem>>, vector<16xf32>,
        %eq3A_129 = arith.cmpf oeq, %get3A_128, %broadcast_in_dim3A_61 : vector<16xf32>
        %all_reduce_population_count3A = tpu.all_reduce %eq3A_129 {dim = 0 : i64, kind = #tpu.reduction_kind<sum>} : vector<16xi1> -> vector<16xi32>
        %reduce_max3A = arith.constant true
        %reduce_max3A_130 = vector.broadcast %reduce_max3A : i1 to vector<16xi1>
        %reduce_max3A_131 = arith.constant -2147483648 : i32
        %reduce_max3A_132 = vector.broadcast %reduce_max3A_131 : i32 to vector<16xi32>
        %reduce_max3A_133 = arith.xori %all_reduce_population_count3A, %reduce_max3A_132 : vector<16xi32>
        %reduce_max3A_134 = tpu.scan <max>, %reduce_max3A_133 masked %reduce_max3A_130 : vector<16xi32>, vector<16xi1> -> vector<16xi32>
        %reduce_max3A_135 = arith.xori %reduce_max3A_134, %reduce_max3A_132 : vector<16xi32>
        %reduce_max3A_136 = vector.extract %reduce_max3A_135[15] : i32 from vector<16xi32>
        %gt3A = arith.constant 0 : i32
        %gt3A_137 = arith.cmpi sgt, %reduce_max3A_136, %gt3A : i32
        %convert_element_type3A_138 = arith.extui %gt3A_137 : i1 to i32
        %cond3A_139 = arith.constant 0 : i32
        %cond3A_140 = arith.cmpi ne, %convert_element_type3A_138, %cond3A_139 : i32
        scf.if %cond3A_140 {
          %convert_element_type3A_142 = arith.extui %eq3A_129 : vector<16xi1> to vector<16xi32>
          %broadcast_in_dim3A_143 = arith.constant true
          %broadcast_in_dim3A_144 = vector.broadcast %broadcast_in_dim3A_143 : i1 to vector<16xi1>
          %masked_cumsum3A = tpu.scan <sum>, %convert_element_type3A_142 masked %broadcast_in_dim3A_144 : vector<16xi32>, vector<16xi1> -> vector<16xi32>
          %broadcast_in_dim3A_145 = vector.broadcast %scan3A_124 : i32 to vector<16xi32>
          %add3A_146 = arith.addi %broadcast_in_dim3A_145, %masked_cumsum3A : vector<16xi32>
          %sub3A_147 = arith.constant 1 : i32
          %sub3A_148 = vector.broadcast %sub3A_147 : i32 to vector<16xi32>
          %sub3A_149 = arith.subi %add3A_146, %sub3A_148 : vector<16xi32>
          %broadcast_in_dim3A_150 = arith.constant 5023 : i32
          %broadcast_in_dim3A_151 = vector.broadcast %broadcast_in_dim3A_150 : i32 to vector<16xi32>
          %select_n3A_152 = arith.select %eq3A_129, %sub3A_149, %broadcast_in_dim3A_151 : vector<16xi1>, vector<16xi32>
          %get3A_153 = arith.index_cast %mul3A_126 : i32 to index
          %get3A_154 = tpu.vector_load %arg5[%get3A_153] {strides = array<i32>} : memref<5120xf32, #tpu.memory_space<vmem>>, vector<16xf32>,
          tpu.vector_store_idx %arg11[%select_n3A_152], %get3A_154 : memref<5024xf32, #tpu.memory_space<vmem>>[vector<16xi32>], vector<16xf32>,
          %get3A_155 = arith.index_cast %mul3A_126 : i32 to index
          %get3A_156 = tpu.vector_load %arg6[%get3A_155] {strides = array<i32>} : memref<5120xf32, #tpu.memory_space<vmem>>, vector<16xf32>,
          tpu.vector_store_idx %arg12[%select_n3A_152], %get3A_156 : memref<5024xf32, #tpu.memory_space<vmem>>[vector<16xi32>], vector<16xf32>,
          %get3A_157 = arith.index_cast %mul3A_126 : i32 to index
          %get3A_158 = tpu.vector_load %arg7[%get3A_157] {strides = array<i32>} : memref<5120xf32, #tpu.memory_space<vmem>>, vector<16xf32>,
          tpu.vector_store_idx %arg13[%select_n3A_152], %get3A_158 : memref<5024xf32, #tpu.memory_space<vmem>>[vector<16xi32>], vector<16xf32>,
          %get3A_159 = arith.index_cast %mul3A_126 : i32 to index
          %get3A_160 = tpu.vector_load %arg8[%get3A_159] {strides = array<i32>} : memref<5120xf32, #tpu.memory_space<vmem>>, vector<16xf32>,
          tpu.vector_store_idx %arg14[%select_n3A_152], %get3A_160 : memref<5024xf32, #tpu.memory_space<vmem>>[vector<16xi32>], vector<16xf32>,
          %get3A_161 = arith.index_cast %mul3A_126 : i32 to index
          %get3A_162 = tpu.vector_load %arg9[%get3A_161] {strides = array<i32>} : memref<5120xf32, #tpu.memory_space<vmem>>, vector<16xf32>,
          tpu.vector_store_idx %arg15[%select_n3A_152], %get3A_162 : memref<5024xf32, #tpu.memory_space<vmem>>[vector<16xi32>], vector<16xf32>,
          %mul3A_163 = arith.constant 16 : i32
          %mul3A_164 = arith.muli %scan3A_123, %mul3A_163 : i32
          %add3A_165 = vector.broadcast %mul3A_164 : i32 to vector<16xi32>
          %add3A_166 = arith.addi %iota3A, %add3A_165 : vector<16xi32>
          tpu.vector_store_idx %arg16[%select_n3A_152], %add3A_166 : memref<5024xi32, #tpu.memory_space<vmem>>[vector<16xi32>], vector<16xi32>,
        } else {
        }
        %add3A_141 = arith.addi %scan3A_124, %reduce_max3A_136 : i32
        scf.yield %add3A_141 : i32
      }
      %scan3A_68 = arith.constant 320 : i32
      %add3A_69 = arith.constant 16 : i32
      %add3A_70 = arith.addi %scan3A_67, %add3A_69 : i32
      %sub3A_71 = arith.constant 1 : i32
      %sub3A_72 = arith.subi %add3A_70, %sub3A_71 : i32
      %jit3A_73 = arith.constant 16 : i32
      %div3A_74 = arith.divsi %sub3A_72, %jit3A_73 : i32
      %sign3A_75 = arith.constant 0 : i32
      %sign3A_76 = arith.cmpi sgt, %sub3A_72, %sign3A_75 : i32
      %sign3A_77 = arith.extui %sign3A_76 : i1 to i32
      %sign3A_78 = arith.constant 0 : i32
      %sign3A_79 = arith.cmpi slt, %sub3A_72, %sign3A_78 : i32
      %sign3A_80 = arith.extui %sign3A_79 : i1 to i32
      %sign3A_81 = arith.subi %sign3A_77, %sign3A_80 : i32
      %sign3A_82 = arith.constant 0 : i32
      %sign3A_83 = arith.cmpi sgt, %jit3A_73, %sign3A_82 : i32
      %sign3A_84 = arith.extui %sign3A_83 : i1 to i32
      %sign3A_85 = arith.constant 0 : i32
      %sign3A_86 = arith.cmpi slt, %jit3A_73, %sign3A_85 : i32
      %sign3A_87 = arith.extui %sign3A_86 : i1 to i32
      %sign3A_88 = arith.subi %sign3A_84, %sign3A_87 : i32
      %ne3A_89 = arith.cmpi ne, %sign3A_81, %sign3A_88 : i32
      %rem3A_90 = arith.remsi %sub3A_72, %jit3A_73 : i32
      %ne3A_91 = arith.constant 0 : i32
      %ne3A_92 = arith.cmpi ne, %rem3A_90, %ne3A_91 : i32
      %and3A_93 = arith.andi %ne3A_89, %ne3A_92 : i1
      %sub3A_94 = arith.constant 1 : i32
      %sub3A_95 = arith.subi %div3A_74, %sub3A_94 : i32
      %select_n3A_96 = arith.select %and3A_93, %sub3A_95, %div3A_74 : i32
      %broadcast_in_dim3A_97 = vector.broadcast %scan3A_67 : i32 to vector<16xi32>
      %while3A = arith.constant 0 : i32
      %while3A_98 = arith.constant 0 : i32
      %while3A_99 = arith.subi %select_n3A_96, %while3A : i32
      %while3A_100 = arith.addi %while3A, %while3A_99 : i32
      %while3A_101 = arith.constant 1 : i32
      %while3A_102 = arith.divsi %while3A_99, %while3A_101 : i32
      %while3A_103 = arith.muli %while3A_102, %while3A_101 : i32
      %while3A_104 = arith.addi %while3A, %while3A_103 : i32
      %while3A_105 = arith.constant 1 : i32
      %while3A_106 = scf.for %while3A_123 = %while3A to %while3A_104 step %while3A_105 iter_args(%while3A_124 = %while3A_98) -> (i32)  : i32 {
        %mul3A_125 = arith.constant 16 : i32
        %mul3A_126 = arith.muli %while3A_123, %mul3A_125 : i32
        %add3A_127 = vector.broadcast %mul3A_126 : i32 to vector<16xi32>
        %add3A_128 = arith.addi %iota3A, %add3A_127 : vector<16xi32>
        %lt3A_129 = arith.cmpi slt, %add3A_128, %broadcast_in_dim3A_97 : vector<16xi32>
        %broadcast_in_dim3A_130 = arith.constant 1.000000e+00 : f32
        %broadcast_in_dim3A_131 = vector.broadcast %broadcast_in_dim3A_130 : f32 to vector<16xf32>
        %broadcast_in_dim3A_132 = arith.constant 0.000000e+00 : f32
        %broadcast_in_dim3A_133 = vector.broadcast %broadcast_in_dim3A_132 : f32 to vector<16xf32>
        %select_n3A_134 = arith.select %lt3A_129, %broadcast_in_dim3A_131, %broadcast_in_dim3A_133 : vector<16xi1>, vector<16xf32>
        %mul3A_135 = arith.constant 16 : i32
        %mul3A_136 = arith.muli %while3A_123, %mul3A_135 : i32
        %swap3A = arith.index_cast %mul3A_136 : i32 to index
        %swap3A_137 = tpu.vector_load %arg17[%swap3A] {strides = array<i32>} : memref<5024xf32, #tpu.memory_space<vmem>>, vector<16xf32>,
        tpu.vector_store %arg17[%swap3A], %select_n3A_134 {strides = array<i32>} : memref<5024xf32, #tpu.memory_space<vmem>>, vector<16xf32>,
        %while3A_138 = arith.constant 0 : i32
        scf.yield %while3A_138 : i32
      }
      %while3A_107 = arith.constant 1 : i32
      %while3A_108 = scf.for %while3A_123 = %while3A_104 to %while3A_100 step %while3A_107 iter_args(%while3A_124 = %while3A_106) -> (i32)  : i32 {
        %mul3A_125 = arith.constant 16 : i32
        %mul3A_126 = arith.muli %while3A_123, %mul3A_125 : i32
        %add3A_127 = vector.broadcast %mul3A_126 : i32 to vector<16xi32>
        %add3A_128 = arith.addi %iota3A, %add3A_127 : vector<16xi32>
        %lt3A_129 = arith.cmpi slt, %add3A_128, %broadcast_in_dim3A_97 : vector<16xi32>
        %broadcast_in_dim3A_130 = arith.constant 1.000000e+00 : f32
        %broadcast_in_dim3A_131 = vector.broadcast %broadcast_in_dim3A_130 : f32 to vector<16xf32>
        %broadcast_in_dim3A_132 = arith.constant 0.000000e+00 : f32
        %broadcast_in_dim3A_133 = vector.broadcast %broadcast_in_dim3A_132 : f32 to vector<16xf32>
        %select_n3A_134 = arith.select %lt3A_129, %broadcast_in_dim3A_131, %broadcast_in_dim3A_133 : vector<16xi1>, vector<16xf32>
        %mul3A_135 = arith.constant 16 : i32
        %mul3A_136 = arith.muli %while3A_123, %mul3A_135 : i32
        %swap3A = arith.index_cast %mul3A_136 : i32 to index
        %swap3A_137 = tpu.vector_load %arg17[%swap3A] {strides = array<i32>} : memref<5024xf32, #tpu.memory_space<vmem>>, vector<16xf32>,
        tpu.vector_store %arg17[%swap3A], %select_n3A_134 {strides = array<i32>} : memref<5024xf32, #tpu.memory_space<vmem>>, vector<16xf32>,
        %while3A_138 = arith.constant 0 : i32
        scf.yield %while3A_138 : i32
      }
      %while3A_109 = arith.constant 0 : i32
      %while3A_110 = arith.constant -1.000000e+30 : f32
      %while3A_111 = arith.constant 0 : i32
      %while3A_112 = arith.subi %select_n3A_96, %while3A_109 : i32
      %while3A_113 = arith.addi %while3A_109, %while3A_112 : i32
      %while3A_114 = arith.constant 1 : i32
      %while3A_115 = arith.divsi %while3A_112, %while3A_114 : i32
      %while3A_116 = arith.muli %while3A_115, %while3A_114 : i32
      %while3A_117 = arith.addi %while3A_109, %while3A_116 : i32
      %while3A_118 = arith.constant 1 : i32
      %while3A_119:2 = scf.for %while3A_123 = %while3A_109 to %while3A_117 step %while3A_118 iter_args(%while3A_124 = %while3A_110, %while3A_125 = %while3A_111) -> (f32, i32)  : i32 {
        %mul3A_126 = arith.constant 16 : i32
        %mul3A_127 = arith.muli %while3A_123, %mul3A_126 : i32
        %get3A_128 = arith.index_cast %mul3A_127 : i32 to index
        %get3A_129 = tpu.vector_load %arg17[%get3A_128] {strides = array<i32>} : memref<5024xf32, #tpu.memory_space<vmem>>, vector<16xf32>,
        %gt3A = arith.constant 5.000000e-01 : f32
        %gt3A_130 = vector.broadcast %gt3A : f32 to vector<16xf32>
        %gt3A_131 = arith.cmpf ogt, %get3A_129, %gt3A_130 : vector<16xf32>
        %get3A_132 = arith.index_cast %mul3A_127 : i32 to index
        %get3A_133 = tpu.vector_load %arg15[%get3A_132] {strides = array<i32>} : memref<5024xf32, #tpu.memory_space<vmem>>, vector<16xf32>,
        %broadcast_in_dim3A_134 = arith.constant -1.000000e+30 : f32
        %broadcast_in_dim3A_135 = vector.broadcast %broadcast_in_dim3A_134 : f32 to vector<16xf32>
        %select_n3A_136 = arith.select %gt3A_131, %get3A_133, %broadcast_in_dim3A_135 : vector<16xi1>, vector<16xf32>
        %reduce_max3A = arith.constant true
        %reduce_max3A_137 = vector.broadcast %reduce_max3A : i1 to vector<16xi1>
        %reduce_max3A_138 = tpu.scan <max>, %select_n3A_136 masked %reduce_max3A_137 : vector<16xf32>, vector<16xi1> -> vector<16xf32>
        %reduce_max3A_139 = vector.extract %reduce_max3A_138[15] : f32 from vector<16xf32>
        %gt3A_140 = arith.cmpf ogt, %reduce_max3A_139, %while3A_124 : f32
        %select_n3A_141 = arith.select %gt3A_140, %reduce_max3A_139, %while3A_124 : f32
        %select_n3A_142 = arith.select %gt3A_140, %while3A_123, %while3A_125 : i32
        scf.yield %select_n3A_141, %select_n3A_142 : f32, i32
      }
      %while3A_120 = arith.constant 1 : i32
      %while3A_121:2 = scf.for %while3A_123 = %while3A_117 to %while3A_113 step %while3A_120 iter_args(%while3A_124 = %while3A_119#0, %while3A_125 = %while3A_119#1) -> (f32, i32)  : i32 {
        %mul3A_126 = arith.constant 16 : i32
        %mul3A_127 = arith.muli %while3A_123, %mul3A_126 : i32
        %get3A_128 = arith.index_cast %mul3A_127 : i32 to index
        %get3A_129 = tpu.vector_load %arg17[%get3A_128] {strides = array<i32>} : memref<5024xf32, #tpu.memory_space<vmem>>, vector<16xf32>,
        %gt3A = arith.constant 5.000000e-01 : f32
        %gt3A_130 = vector.broadcast %gt3A : f32 to vector<16xf32>
        %gt3A_131 = arith.cmpf ogt, %get3A_129, %gt3A_130 : vector<16xf32>
        %get3A_132 = arith.index_cast %mul3A_127 : i32 to index
        %get3A_133 = tpu.vector_load %arg15[%get3A_132] {strides = array<i32>} : memref<5024xf32, #tpu.memory_space<vmem>>, vector<16xf32>,
        %broadcast_in_dim3A_134 = arith.constant -1.000000e+30 : f32
        %broadcast_in_dim3A_135 = vector.broadcast %broadcast_in_dim3A_134 : f32 to vector<16xf32>
        %select_n3A_136 = arith.select %gt3A_131, %get3A_133, %broadcast_in_dim3A_135 : vector<16xi1>, vector<16xf32>
        %reduce_max3A = arith.constant true
        %reduce_max3A_137 = vector.broadcast %reduce_max3A : i1 to vector<16xi1>
        %reduce_max3A_138 = tpu.scan <max>, %select_n3A_136 masked %reduce_max3A_137 : vector<16xf32>, vector<16xi1> -> vector<16xf32>
        %reduce_max3A_139 = vector.extract %reduce_max3A_138[15] : f32 from vector<16xf32>
        %gt3A_140 = arith.cmpf ogt, %reduce_max3A_139, %while3A_124 : f32
        %select_n3A_141 = arith.select %gt3A_140, %reduce_max3A_139, %while3A_124 : f32
        %select_n3A_142 = arith.select %gt3A_140, %while3A_123, %while3A_125 : i32
        scf.yield %select_n3A_141, %select_n3A_142 : f32, i32
      }
      %while3A_122:2 = scf.while (%while3A_123 = %while3A_121#0, %while3A_124 = %while3A_121#1) : (f32, i32) -> (f32, i32) {
        %gt3A = arith.constant -1.000000e+29 : f32
        %gt3A_125 = arith.cmpf ogt, %while3A_123, %gt3A : f32
        scf.condition(%gt3A_125) %while3A_123, %while3A_124 : f32, i32
      } do {
      ^bb0(%while3A_123: f32, %while3A_124: i32):
        %mul3A_125 = arith.constant 16 : i32
        %mul3A_126 = arith.muli %while3A_124, %mul3A_125 : i32
        %get3A_127 = arith.index_cast %mul3A_126 : i32 to index
        %get3A_128 = tpu.vector_load %arg15[%get3A_127] {strides = array<i32>} : memref<5024xf32, #tpu.memory_space<vmem>>, vector<16xf32>,
        %broadcast_in_dim3A_129 = vector.broadcast %while3A_123 : f32 to vector<16xf32>
        %eq3A_130 = arith.cmpf oeq, %get3A_128, %broadcast_in_dim3A_129 : vector<16xf32>
        %get3A_131 = arith.index_cast %mul3A_126 : i32 to index
        %get3A_132 = tpu.vector_load %arg17[%get3A_131] {strides = array<i32>} : memref<5024xf32, #tpu.memory_space<vmem>>, vector<16xf32>,
        %gt3A = arith.constant 5.000000e-01 : f32
        %gt3A_133 = vector.broadcast %gt3A : f32 to vector<16xf32>
        %gt3A_134 = arith.cmpf ogt, %get3A_132, %gt3A_133 : vector<16xf32>
        %and3A_135 = arith.andi %eq3A_130, %gt3A_134 : vector<16xi1>
        %all_reduce_ffs3A = tpu.all_reduce %and3A_135 {dim = 0 : i64, kind = #tpu.reduction_kind<find_first_set>} : vector<16xi1> -> vector<16xi32>
        %reduce_max3A = arith.constant true
        %reduce_max3A_136 = vector.broadcast %reduce_max3A : i1 to vector<16xi1>
        %reduce_max3A_137 = arith.constant -2147483648 : i32
        %reduce_max3A_138 = vector.broadcast %reduce_max3A_137 : i32 to vector<16xi32>
        %reduce_max3A_139 = arith.xori %all_reduce_ffs3A, %reduce_max3A_138 : vector<16xi32>
        %reduce_max3A_140 = tpu.scan <max>, %reduce_max3A_139 masked %reduce_max3A_136 : vector<16xi32>, vector<16xi1> -> vector<16xi32>
        %reduce_max3A_141 = arith.xori %reduce_max3A_140, %reduce_max3A_138 : vector<16xi32>
        %reduce_max3A_142 = vector.extract %reduce_max3A_141[15] : i32 from vector<16xi32>
        %mul3A_143 = arith.constant 16 : i32
        %mul3A_144 = arith.muli %while3A_124, %mul3A_143 : i32
        %add3A_145 = arith.addi %mul3A_144, %reduce_max3A_142 : i32
        %broadcast_in_dim3A_146 = vector.broadcast %add3A_145 : i32 to vector<16xi32>
        %gather3A = tpu.vector_load_idx %arg16[%broadcast_in_dim3A_146] : memref<5024xi32, #tpu.memory_space<vmem>>[vector<16xi32>], vector<16xi32>,
        %reduce_max3A_147 = arith.constant true
        %reduce_max3A_148 = vector.broadcast %reduce_max3A_147 : i1 to vector<16xi1>
        %reduce_max3A_149 = arith.constant -2147483648 : i32
        %reduce_max3A_150 = vector.broadcast %reduce_max3A_149 : i32 to vector<16xi32>
        %reduce_max3A_151 = arith.xori %gather3A, %reduce_max3A_150 : vector<16xi32>
        %reduce_max3A_152 = tpu.scan <max>, %reduce_max3A_151 masked %reduce_max3A_148 : vector<16xi32>, vector<16xi1> -> vector<16xi32>
        %reduce_max3A_153 = arith.xori %reduce_max3A_152, %reduce_max3A_150 : vector<16xi32>
        %reduce_max3A_154 = vector.extract %reduce_max3A_153[15] : i32 from vector<16xi32>
        %broadcast_in_dim3A_155 = vector.broadcast %reduce_max3A_154 : i32 to vector<16xi32>
        %broadcast_in_dim3A_156 = arith.constant 1 : i32
        %broadcast_in_dim3A_157 = vector.broadcast %broadcast_in_dim3A_156 : i32 to vector<16xi32>
        tpu.vector_store_idx %arg18[%broadcast_in_dim3A_155], %broadcast_in_dim3A_157 : memref<5120xi32, #tpu.memory_space<vmem>>[vector<16xi32>], vector<16xi32>,
        %gather3A_158 = tpu.vector_load_idx %arg11[%broadcast_in_dim3A_146] : memref<5024xf32, #tpu.memory_space<vmem>>[vector<16xi32>], vector<16xf32>,
        %gather3A_159 = tpu.vector_load_idx %arg12[%broadcast_in_dim3A_146] : memref<5024xf32, #tpu.memory_space<vmem>>[vector<16xi32>], vector<16xf32>,
        %gather3A_160 = tpu.vector_load_idx %arg13[%broadcast_in_dim3A_146] : memref<5024xf32, #tpu.memory_space<vmem>>[vector<16xi32>], vector<16xf32>,
        %gather3A_161 = tpu.vector_load_idx %arg14[%broadcast_in_dim3A_146] : memref<5024xf32, #tpu.memory_space<vmem>>[vector<16xi32>], vector<16xf32>,
        %sub3A_162 = arith.subf %gather3A_160, %gather3A_158 : vector<16xf32>
        %max3A = arith.constant 0.000000e+00 : f32
        %max3A_163 = vector.broadcast %max3A : f32 to vector<16xf32>
        %max3A_164 = arith.maximumf %sub3A_162, %max3A_163 : vector<16xf32>
        %sub3A_165 = arith.subf %gather3A_161, %gather3A_159 : vector<16xf32>
        %max3A_166 = arith.constant 0.000000e+00 : f32
        %max3A_167 = vector.broadcast %max3A_166 : f32 to vector<16xf32>
        %max3A_168 = arith.maximumf %sub3A_165, %max3A_167 : vector<16xf32>
        %mul3A_169 = arith.mulf %max3A_164, %max3A_168 : vector<16xf32>
        %while3A_170 = arith.constant 0 : i32
        %while3A_171 = arith.constant -1.000000e+30 : f32
        %while3A_172 = arith.constant 0 : i32
        %while3A_173 = arith.subi %select_n3A_96, %while3A_170 : i32
        %while3A_174 = arith.addi %while3A_170, %while3A_173 : i32
        %while3A_175 = arith.constant 1 : i32
        %while3A_176 = arith.divsi %while3A_173, %while3A_175 : i32
        %while3A_177 = arith.muli %while3A_176, %while3A_175 : i32
        %while3A_178 = arith.addi %while3A_170, %while3A_177 : i32
        %while3A_179 = arith.constant 1 : i32
        %while3A_180:2 = scf.for %while3A_183 = %while3A_170 to %while3A_178 step %while3A_179 iter_args(%while3A_184 = %while3A_171, %while3A_185 = %while3A_172) -> (f32, i32)  : i32 {
          %mul3A_186 = arith.constant 16 : i32
          %mul3A_187 = arith.muli %while3A_183, %mul3A_186 : i32
          %get3A_188 = arith.index_cast %mul3A_187 : i32 to index
          %get3A_189 = tpu.vector_load %arg11[%get3A_188] {strides = array<i32>} : memref<5024xf32, #tpu.memory_space<vmem>>, vector<16xf32>,
          %get3A_190 = arith.index_cast %mul3A_187 : i32 to index
          %get3A_191 = tpu.vector_load %arg12[%get3A_190] {strides = array<i32>} : memref<5024xf32, #tpu.memory_space<vmem>>, vector<16xf32>,
          %get3A_192 = arith.index_cast %mul3A_187 : i32 to index
          %get3A_193 = tpu.vector_load %arg13[%get3A_192] {strides = array<i32>} : memref<5024xf32, #tpu.memory_space<vmem>>, vector<16xf32>,
          %get3A_194 = arith.index_cast %mul3A_187 : i32 to index
          %get3A_195 = tpu.vector_load %arg14[%get3A_194] {strides = array<i32>} : memref<5024xf32, #tpu.memory_space<vmem>>, vector<16xf32>,
          %max3A_196 = arith.maximumf %gather3A_158, %get3A_189 : vector<16xf32>
          %max3A_197 = arith.maximumf %gather3A_159, %get3A_191 : vector<16xf32>
          %min3A = arith.minimumf %gather3A_160, %get3A_193 : vector<16xf32>
          %min3A_198 = arith.minimumf %gather3A_161, %get3A_195 : vector<16xf32>
          %sub3A_199 = arith.subf %min3A, %max3A_196 : vector<16xf32>
          %max3A_200 = arith.constant 0.000000e+00 : f32
          %max3A_201 = vector.broadcast %max3A_200 : f32 to vector<16xf32>
          %max3A_202 = arith.maximumf %sub3A_199, %max3A_201 : vector<16xf32>
          %sub3A_203 = arith.subf %min3A_198, %max3A_197 : vector<16xf32>
          %max3A_204 = arith.constant 0.000000e+00 : f32
          %max3A_205 = vector.broadcast %max3A_204 : f32 to vector<16xf32>
          %max3A_206 = arith.maximumf %sub3A_203, %max3A_205 : vector<16xf32>
          %mul3A_207 = arith.mulf %max3A_202, %max3A_206 : vector<16xf32>
          %sub3A_208 = arith.subf %get3A_193, %get3A_189 : vector<16xf32>
          %max3A_209 = arith.constant 0.000000e+00 : f32
          %max3A_210 = vector.broadcast %max3A_209 : f32 to vector<16xf32>
          %max3A_211 = arith.maximumf %sub3A_208, %max3A_210 : vector<16xf32>
          %sub3A_212 = arith.subf %get3A_195, %get3A_191 : vector<16xf32>
          %max3A_213 = arith.constant 0.000000e+00 : f32
          %max3A_214 = vector.broadcast %max3A_213 : f32 to vector<16xf32>
          %max3A_215 = arith.maximumf %sub3A_212, %max3A_214 : vector<16xf32>
          %mul3A_216 = arith.mulf %max3A_211, %max3A_215 : vector<16xf32>
          %add3A_217 = arith.addf %mul3A_216, %mul3A_169 : vector<16xf32>
          %sub3A_218 = arith.subf %add3A_217, %mul3A_207 : vector<16xf32>
          %max3A_219 = arith.constant 9.99999971E-10 : f32
          %max3A_220 = vector.broadcast %max3A_219 : f32 to vector<16xf32>
          %max3A_221 = arith.maximumf %sub3A_218, %max3A_220 : vector<16xf32>
          %div3A_222 = arith.divf %mul3A_207, %max3A_221 : vector<16xf32>
          %gt3A_223 = arith.cmpf ogt, %div3A_222, %get3A_36 : vector<16xf32>
          %broadcast_in_dim3A_224 = arith.constant 0.000000e+00 : f32
          %broadcast_in_dim3A_225 = vector.broadcast %broadcast_in_dim3A_224 : f32 to vector<16xf32>
          %get3A_226 = arith.index_cast %mul3A_187 : i32 to index
          %get3A_227 = tpu.vector_load %arg17[%get3A_226] {strides = array<i32>} : memref<5024xf32, #tpu.memory_space<vmem>>, vector<16xf32>,
          %select_n3A_228 = arith.select %gt3A_223, %broadcast_in_dim3A_225, %get3A_227 : vector<16xi1>, vector<16xf32>
          %swap3A = arith.index_cast %mul3A_187 : i32 to index
          %swap3A_229 = tpu.vector_load %arg17[%swap3A] {strides = array<i32>} : memref<5024xf32, #tpu.memory_space<vmem>>, vector<16xf32>,
          tpu.vector_store %arg17[%swap3A], %select_n3A_228 {strides = array<i32>} : memref<5024xf32, #tpu.memory_space<vmem>>, vector<16xf32>,
          %gt3A_230 = arith.constant 5.000000e-01 : f32
          %gt3A_231 = vector.broadcast %gt3A_230 : f32 to vector<16xf32>
          %gt3A_232 = arith.cmpf ogt, %select_n3A_228, %gt3A_231 : vector<16xf32>
          %get3A_233 = arith.index_cast %mul3A_187 : i32 to index
          %get3A_234 = tpu.vector_load %arg15[%get3A_233] {strides = array<i32>} : memref<5024xf32, #tpu.memory_space<vmem>>, vector<16xf32>,
          %broadcast_in_dim3A_235 = arith.constant -1.000000e+30 : f32
          %broadcast_in_dim3A_236 = vector.broadcast %broadcast_in_dim3A_235 : f32 to vector<16xf32>
          %select_n3A_237 = arith.select %gt3A_232, %get3A_234, %broadcast_in_dim3A_236 : vector<16xi1>, vector<16xf32>
          %reduce_max3A_238 = arith.constant true
          %reduce_max3A_239 = vector.broadcast %reduce_max3A_238 : i1 to vector<16xi1>
          %reduce_max3A_240 = tpu.scan <max>, %select_n3A_237 masked %reduce_max3A_239 : vector<16xf32>, vector<16xi1> -> vector<16xf32>
          %reduce_max3A_241 = vector.extract %reduce_max3A_240[15] : f32 from vector<16xf32>
          %gt3A_242 = arith.cmpf ogt, %reduce_max3A_241, %while3A_184 : f32
          %select_n3A_243 = arith.select %gt3A_242, %reduce_max3A_241, %while3A_184 : f32
          %select_n3A_244 = arith.select %gt3A_242, %while3A_183, %while3A_185 : i32
          scf.yield %select_n3A_243, %select_n3A_244 : f32, i32
        }
        %while3A_181 = arith.constant 1 : i32
        %while3A_182:2 = scf.for %while3A_183 = %while3A_178 to %while3A_174 step %while3A_181 iter_args(%while3A_184 = %while3A_180#0, %while3A_185 = %while3A_180#1) -> (f32, i32)  : i32 {
          %mul3A_186 = arith.constant 16 : i32
          %mul3A_187 = arith.muli %while3A_183, %mul3A_186 : i32
          %get3A_188 = arith.index_cast %mul3A_187 : i32 to index
          %get3A_189 = tpu.vector_load %arg11[%get3A_188] {strides = array<i32>} : memref<5024xf32, #tpu.memory_space<vmem>>, vector<16xf32>,
          %get3A_190 = arith.index_cast %mul3A_187 : i32 to index
          %get3A_191 = tpu.vector_load %arg12[%get3A_190] {strides = array<i32>} : memref<5024xf32, #tpu.memory_space<vmem>>, vector<16xf32>,
          %get3A_192 = arith.index_cast %mul3A_187 : i32 to index
          %get3A_193 = tpu.vector_load %arg13[%get3A_192] {strides = array<i32>} : memref<5024xf32, #tpu.memory_space<vmem>>, vector<16xf32>,
          %get3A_194 = arith.index_cast %mul3A_187 : i32 to index
          %get3A_195 = tpu.vector_load %arg14[%get3A_194] {strides = array<i32>} : memref<5024xf32, #tpu.memory_space<vmem>>, vector<16xf32>,
          %max3A_196 = arith.maximumf %gather3A_158, %get3A_189 : vector<16xf32>
          %max3A_197 = arith.maximumf %gather3A_159, %get3A_191 : vector<16xf32>
          %min3A = arith.minimumf %gather3A_160, %get3A_193 : vector<16xf32>
          %min3A_198 = arith.minimumf %gather3A_161, %get3A_195 : vector<16xf32>
          %sub3A_199 = arith.subf %min3A, %max3A_196 : vector<16xf32>
          %max3A_200 = arith.constant 0.000000e+00 : f32
          %max3A_201 = vector.broadcast %max3A_200 : f32 to vector<16xf32>
          %max3A_202 = arith.maximumf %sub3A_199, %max3A_201 : vector<16xf32>
          %sub3A_203 = arith.subf %min3A_198, %max3A_197 : vector<16xf32>
          %max3A_204 = arith.constant 0.000000e+00 : f32
          %max3A_205 = vector.broadcast %max3A_204 : f32 to vector<16xf32>
          %max3A_206 = arith.maximumf %sub3A_203, %max3A_205 : vector<16xf32>
          %mul3A_207 = arith.mulf %max3A_202, %max3A_206 : vector<16xf32>
          %sub3A_208 = arith.subf %get3A_193, %get3A_189 : vector<16xf32>
          %max3A_209 = arith.constant 0.000000e+00 : f32
          %max3A_210 = vector.broadcast %max3A_209 : f32 to vector<16xf32>
          %max3A_211 = arith.maximumf %sub3A_208, %max3A_210 : vector<16xf32>
          %sub3A_212 = arith.subf %get3A_195, %get3A_191 : vector<16xf32>
          %max3A_213 = arith.constant 0.000000e+00 : f32
          %max3A_214 = vector.broadcast %max3A_213 : f32 to vector<16xf32>
          %max3A_215 = arith.maximumf %sub3A_212, %max3A_214 : vector<16xf32>
          %mul3A_216 = arith.mulf %max3A_211, %max3A_215 : vector<16xf32>
          %add3A_217 = arith.addf %mul3A_216, %mul3A_169 : vector<16xf32>
          %sub3A_218 = arith.subf %add3A_217, %mul3A_207 : vector<16xf32>
          %max3A_219 = arith.constant 9.99999971E-10 : f32
          %max3A_220 = vector.broadcast %max3A_219 : f32 to vector<16xf32>
          %max3A_221 = arith.maximumf %sub3A_218, %max3A_220 : vector<16xf32>
          %div3A_222 = arith.divf %mul3A_207, %max3A_221 : vector<16xf32>
          %gt3A_223 = arith.cmpf ogt, %div3A_222, %get3A_36 : vector<16xf32>
          %broadcast_in_dim3A_224 = arith.constant 0.000000e+00 : f32
          %broadcast_in_dim3A_225 = vector.broadcast %broadcast_in_dim3A_224 : f32 to vector<16xf32>
          %get3A_226 = arith.index_cast %mul3A_187 : i32 to index
          %get3A_227 = tpu.vector_load %arg17[%get3A_226] {strides = array<i32>} : memref<5024xf32, #tpu.memory_space<vmem>>, vector<16xf32>,
          %select_n3A_228 = arith.select %gt3A_223, %broadcast_in_dim3A_225, %get3A_227 : vector<16xi1>, vector<16xf32>
          %swap3A = arith.index_cast %mul3A_187 : i32 to index
          %swap3A_229 = tpu.vector_load %arg17[%swap3A] {strides = array<i32>} : memref<5024xf32, #tpu.memory_space<vmem>>, vector<16xf32>,
          tpu.vector_store %arg17[%swap3A], %select_n3A_228 {strides = array<i32>} : memref<5024xf32, #tpu.memory_space<vmem>>, vector<16xf32>,
          %gt3A_230 = arith.constant 5.000000e-01 : f32
          %gt3A_231 = vector.broadcast %gt3A_230 : f32 to vector<16xf32>
          %gt3A_232 = arith.cmpf ogt, %select_n3A_228, %gt3A_231 : vector<16xf32>
          %get3A_233 = arith.index_cast %mul3A_187 : i32 to index
          %get3A_234 = tpu.vector_load %arg15[%get3A_233] {strides = array<i32>} : memref<5024xf32, #tpu.memory_space<vmem>>, vector<16xf32>,
          %broadcast_in_dim3A_235 = arith.constant -1.000000e+30 : f32
          %broadcast_in_dim3A_236 = vector.broadcast %broadcast_in_dim3A_235 : f32 to vector<16xf32>
          %select_n3A_237 = arith.select %gt3A_232, %get3A_234, %broadcast_in_dim3A_236 : vector<16xi1>, vector<16xf32>
          %reduce_max3A_238 = arith.constant true
          %reduce_max3A_239 = vector.broadcast %reduce_max3A_238 : i1 to vector<16xi1>
          %reduce_max3A_240 = tpu.scan <max>, %select_n3A_237 masked %reduce_max3A_239 : vector<16xf32>, vector<16xi1> -> vector<16xf32>
          %reduce_max3A_241 = vector.extract %reduce_max3A_240[15] : f32 from vector<16xf32>
          %gt3A_242 = arith.cmpf ogt, %reduce_max3A_241, %while3A_184 : f32
          %select_n3A_243 = arith.select %gt3A_242, %reduce_max3A_241, %while3A_184 : f32
          %select_n3A_244 = arith.select %gt3A_242, %while3A_183, %while3A_185 : i32
          scf.yield %select_n3A_243, %select_n3A_244 : f32, i32
        }
        scf.yield %while3A_182#0, %while3A_182#1 : f32, i32
      }
    }
    %scan3A_48 = arith.constant 10 : i32
    "tpu.region"() ({
      %run_scoped3A_52 = tpu.sem_alloc : memref<!tpu.dma_semaphore, #tpu.memory_space<semaphore_mem>>
      %dma_start3A = arith.constant 0 : i32
      %dma_start3A_53 = tpu.memref_slice %arg21[%arg1, %dma_start3A] : memref<16x5120xi32, #tpu.memory_space<vmem_shared>> -> memref<1x5120xi32, #tpu.memory_space<vmem_shared>>
      %dma_start3A_54 = tpu.memref_squeeze %dma_start3A_53 : memref<1x5120xi32, #tpu.memory_space<vmem_shared>> -> memref<5120xi32, #tpu.memory_space<vmem_shared>>
      %dma_start3A_55 = arith.constant 0 : i32
      %dma_start3A_56 = tpu.memref_slice %arg21[%arg1, %dma_start3A_55] : memref<16x5120xi32, #tpu.memory_space<vmem_shared>> -> memref<1x5120xi32, #tpu.memory_space<vmem_shared>>
      %dma_start3A_57 = tpu.memref_squeeze %dma_start3A_56 : memref<1x5120xi32, #tpu.memory_space<vmem_shared>> -> memref<5120xi32, #tpu.memory_space<vmem_shared>>
      tpu.enqueue_dma source(%arg18 : memref<5120xi32, #tpu.memory_space<vmem>>) target(%dma_start3A_57 : memref<5120xi32, #tpu.memory_space<vmem_shared>>) target_semaphore(%run_scoped3A_52 : memref<!tpu.dma_semaphore, #tpu.memory_space<semaphore_mem>>)
      %dma_wait3A = arith.constant 0 : i32
      %dma_wait3A_58 = tpu.memref_slice %arg21[%arg1, %dma_wait3A] : memref<16x5120xi32, #tpu.memory_space<vmem_shared>> -> memref<1x5120xi32, #tpu.memory_space<vmem_shared>>
      %dma_wait3A_59 = tpu.memref_squeeze %dma_wait3A_58 : memref<1x5120xi32, #tpu.memory_space<vmem_shared>> -> memref<5120xi32, #tpu.memory_space<vmem_shared>>
      %dma_wait3A_60 = arith.constant 0 : i32
      %dma_wait3A_61 = tpu.memref_slice %arg21[%arg1, %dma_wait3A_60] : memref<16x5120xi32, #tpu.memory_space<vmem_shared>> -> memref<1x5120xi32, #tpu.memory_space<vmem_shared>>
      %dma_wait3A_62 = tpu.memref_squeeze %dma_wait3A_61 : memref<1x5120xi32, #tpu.memory_space<vmem_shared>> -> memref<5120xi32, #tpu.memory_space<vmem_shared>>
      tpu.wait_dma2 semaphore(%run_scoped3A_52 : memref<!tpu.dma_semaphore, #tpu.memory_space<semaphore_mem>>) src(%arg18 : memref<5120xi32, #tpu.memory_space<vmem>>) dst(%dma_wait3A_62 : memref<5120xi32, #tpu.memory_space<vmem_shared>>)
      tpu.yield
    }) : () -> ()
    %barrier3A = arith.constant 0 : index
    tpu.barrier barrier_id(%barrier3A)
    %eq3A_49 = arith.constant 0 : i32
    %eq3A_50 = arith.cmpi eq, %select_n3A_28, %eq3A_49 : i32
    %convert_element_type3A = arith.extui %eq3A_50 : i1 to i32
    %cond3A = arith.constant 0 : i32
    %cond3A_51 = arith.cmpi ne, %convert_element_type3A, %cond3A : i32
    scf.if %cond3A_51 {
      %add3A_52 = arith.constant 1 : i32
      %add3A_53 = arith.addi %arg1, %add3A_52 : i32
      "tpu.region"() ({
        %run_scoped3A_115 = tpu.sem_alloc : memref<!tpu.dma_semaphore, #tpu.memory_space<semaphore_mem>>
        %dma_start3A = arith.constant 0 : i32
        %dma_start3A_116 = tpu.memref_slice %arg21[%add3A_53, %dma_start3A] : memref<16x5120xi32, #tpu.memory_space<vmem_shared>> -> memref<1x5120xi32, #tpu.memory_space<vmem_shared>>
        %dma_start3A_117 = tpu.memref_squeeze %dma_start3A_116 : memref<1x5120xi32, #tpu.memory_space<vmem_shared>> -> memref<5120xi32, #tpu.memory_space<vmem_shared>>
        %dma_start3A_118 = arith.constant 0 : i32
        %dma_start3A_119 = tpu.memref_slice %arg21[%add3A_53, %dma_start3A_118] : memref<16x5120xi32, #tpu.memory_space<vmem_shared>> -> memref<1x5120xi32, #tpu.memory_space<vmem_shared>>
        %dma_start3A_120 = tpu.memref_squeeze %dma_start3A_119 : memref<1x5120xi32, #tpu.memory_space<vmem_shared>> -> memref<5120xi32, #tpu.memory_space<vmem_shared>>
        tpu.enqueue_dma source(%dma_start3A_120 : memref<5120xi32, #tpu.memory_space<vmem_shared>>) target(%arg19 : memref<5120xi32, #tpu.memory_space<vmem>>) target_semaphore(%run_scoped3A_115 : memref<!tpu.dma_semaphore, #tpu.memory_space<semaphore_mem>>)
        %dma_wait3A = arith.constant 0 : i32
        %dma_wait3A_121 = tpu.memref_slice %arg21[%add3A_53, %dma_wait3A] : memref<16x5120xi32, #tpu.memory_space<vmem_shared>> -> memref<1x5120xi32, #tpu.memory_space<vmem_shared>>
        %dma_wait3A_122 = tpu.memref_squeeze %dma_wait3A_121 : memref<1x5120xi32, #tpu.memory_space<vmem_shared>> -> memref<5120xi32, #tpu.memory_space<vmem_shared>>
        %dma_wait3A_123 = arith.constant 0 : i32
        %dma_wait3A_124 = tpu.memref_slice %arg21[%add3A_53, %dma_wait3A_123] : memref<16x5120xi32, #tpu.memory_space<vmem_shared>> -> memref<1x5120xi32, #tpu.memory_space<vmem_shared>>
        %dma_wait3A_125 = tpu.memref_squeeze %dma_wait3A_124 : memref<1x5120xi32, #tpu.memory_space<vmem_shared>> -> memref<5120xi32, #tpu.memory_space<vmem_shared>>
        tpu.wait_dma2 semaphore(%run_scoped3A_115 : memref<!tpu.dma_semaphore, #tpu.memory_space<semaphore_mem>>) src(%dma_wait3A_125 : memref<5120xi32, #tpu.memory_space<vmem_shared>>) dst(%arg19 : memref<5120xi32, #tpu.memory_space<vmem>>)
        tpu.yield
      }) : () -> ()
      %scan3A_54 = arith.constant 0 : i32
      %scan3A_55 = arith.constant 0 : i32
      %scan3A_56 = arith.constant 320 : i32
      %scan3A_57 = arith.addi %scan3A_55, %scan3A_56 : i32
      %scan3A_58 = arith.constant 1 : i32
      %scan3A_59 = scf.for %scan3A_115 = %scan3A_55 to %scan3A_57 step %scan3A_58 iter_args(%scan3A_116 = %scan3A_54) -> (i32)  : i32 {
        %mul3A_117 = arith.constant 16 : i32
        %mul3A_118 = arith.muli %scan3A_115, %mul3A_117 : i32
        %get3A_119 = arith.index_cast %mul3A_118 : i32 to index
        %get3A_120 = tpu.vector_load %arg18[%get3A_119] {strides = array<i32>} : memref<5120xi32, #tpu.memory_space<vmem>>, vector<16xi32>,
        %get3A_121 = arith.index_cast %mul3A_118 : i32 to index
        %get3A_122 = tpu.vector_load %arg19[%get3A_121] {strides = array<i32>} : memref<5120xi32, #tpu.memory_space<vmem>>, vector<16xi32>,
        %or3A = arith.ori %get3A_120, %get3A_122 : vector<16xi32>
        %swap3A = arith.index_cast %mul3A_118 : i32 to index
        %swap3A_123 = tpu.vector_load %arg18[%swap3A] {strides = array<i32>} : memref<5120xi32, #tpu.memory_space<vmem>>, vector<16xi32>,
        tpu.vector_store %arg18[%swap3A], %or3A {strides = array<i32>} : memref<5120xi32, #tpu.memory_space<vmem>>, vector<16xi32>,
        %scan3A_124 = arith.constant 0 : i32
        scf.yield %scan3A_124 : i32
      }
      %scan3A_60 = arith.constant 320 : i32
      %add3A_61 = arith.constant 2 : i32
      %add3A_62 = arith.addi %arg1, %add3A_61 : i32
      "tpu.region"() ({
        %run_scoped3A_115 = tpu.sem_alloc : memref<!tpu.dma_semaphore, #tpu.memory_space<semaphore_mem>>
        %dma_start3A = arith.constant 0 : i32
        %dma_start3A_116 = tpu.memref_slice %arg21[%add3A_62, %dma_start3A] : memref<16x5120xi32, #tpu.memory_space<vmem_shared>> -> memref<1x5120xi32, #tpu.memory_space<vmem_shared>>
        %dma_start3A_117 = tpu.memref_squeeze %dma_start3A_116 : memref<1x5120xi32, #tpu.memory_space<vmem_shared>> -> memref<5120xi32, #tpu.memory_space<vmem_shared>>
        %dma_start3A_118 = arith.constant 0 : i32
        %dma_start3A_119 = tpu.memref_slice %arg21[%add3A_62, %dma_start3A_118] : memref<16x5120xi32, #tpu.memory_space<vmem_shared>> -> memref<1x5120xi32, #tpu.memory_space<vmem_shared>>
        %dma_start3A_120 = tpu.memref_squeeze %dma_start3A_119 : memref<1x5120xi32, #tpu.memory_space<vmem_shared>> -> memref<5120xi32, #tpu.memory_space<vmem_shared>>
        tpu.enqueue_dma source(%dma_start3A_120 : memref<5120xi32, #tpu.memory_space<vmem_shared>>) target(%arg19 : memref<5120xi32, #tpu.memory_space<vmem>>) target_semaphore(%run_scoped3A_115 : memref<!tpu.dma_semaphore, #tpu.memory_space<semaphore_mem>>)
        %dma_wait3A = arith.constant 0 : i32
        %dma_wait3A_121 = tpu.memref_slice %arg21[%add3A_62, %dma_wait3A] : memref<16x5120xi32, #tpu.memory_space<vmem_shared>> -> memref<1x5120xi32, #tpu.memory_space<vmem_shared>>
        %dma_wait3A_122 = tpu.memref_squeeze %dma_wait3A_121 : memref<1x5120xi32, #tpu.memory_space<vmem_shared>> -> memref<5120xi32, #tpu.memory_space<vmem_shared>>
        %dma_wait3A_123 = arith.constant 0 : i32
        %dma_wait3A_124 = tpu.memref_slice %arg21[%add3A_62, %dma_wait3A_123] : memref<16x5120xi32, #tpu.memory_space<vmem_shared>> -> memref<1x5120xi32, #tpu.memory_space<vmem_shared>>
        %dma_wait3A_125 = tpu.memref_squeeze %dma_wait3A_124 : memref<1x5120xi32, #tpu.memory_space<vmem_shared>> -> memref<5120xi32, #tpu.memory_space<vmem_shared>>
        tpu.wait_dma2 semaphore(%run_scoped3A_115 : memref<!tpu.dma_semaphore, #tpu.memory_space<semaphore_mem>>) src(%dma_wait3A_125 : memref<5120xi32, #tpu.memory_space<vmem_shared>>) dst(%arg19 : memref<5120xi32, #tpu.memory_space<vmem>>)
        tpu.yield
      }) : () -> ()
      %scan3A_63 = arith.constant 0 : i32
      %scan3A_64 = arith.constant 0 : i32
      %scan3A_65 = arith.constant 320 : i32
      %scan3A_66 = arith.addi %scan3A_64, %scan3A_65 : i32
      %scan3A_67 = arith.constant 1 : i32
      %scan3A_68 = scf.for %scan3A_115 = %scan3A_64 to %scan3A_66 step %scan3A_67 iter_args(%scan3A_116 = %scan3A_63) -> (i32)  : i32 {
        %mul3A_117 = arith.constant 16 : i32
        %mul3A_118 = arith.muli %scan3A_115, %mul3A_117 : i32
        %get3A_119 = arith.index_cast %mul3A_118 : i32 to index
        %get3A_120 = tpu.vector_load %arg18[%get3A_119] {strides = array<i32>} : memref<5120xi32, #tpu.memory_space<vmem>>, vector<16xi32>,
        %get3A_121 = arith.index_cast %mul3A_118 : i32 to index
        %get3A_122 = tpu.vector_load %arg19[%get3A_121] {strides = array<i32>} : memref<5120xi32, #tpu.memory_space<vmem>>, vector<16xi32>,
        %or3A = arith.ori %get3A_120, %get3A_122 : vector<16xi32>
        %swap3A = arith.index_cast %mul3A_118 : i32 to index
        %swap3A_123 = tpu.vector_load %arg18[%swap3A] {strides = array<i32>} : memref<5120xi32, #tpu.memory_space<vmem>>, vector<16xi32>,
        tpu.vector_store %arg18[%swap3A], %or3A {strides = array<i32>} : memref<5120xi32, #tpu.memory_space<vmem>>, vector<16xi32>,
        %scan3A_124 = arith.constant 0 : i32
        scf.yield %scan3A_124 : i32
      }
      %scan3A_69 = arith.constant 320 : i32
      %add3A_70 = arith.constant 3 : i32
      %add3A_71 = arith.addi %arg1, %add3A_70 : i32
      "tpu.region"() ({
        %run_scoped3A_115 = tpu.sem_alloc : memref<!tpu.dma_semaphore, #tpu.memory_space<semaphore_mem>>
        %dma_start3A = arith.constant 0 : i32
        %dma_start3A_116 = tpu.memref_slice %arg21[%add3A_71, %dma_start3A] : memref<16x5120xi32, #tpu.memory_space<vmem_shared>> -> memref<1x5120xi32, #tpu.memory_space<vmem_shared>>
        %dma_start3A_117 = tpu.memref_squeeze %dma_start3A_116 : memref<1x5120xi32, #tpu.memory_space<vmem_shared>> -> memref<5120xi32, #tpu.memory_space<vmem_shared>>
        %dma_start3A_118 = arith.constant 0 : i32
        %dma_start3A_119 = tpu.memref_slice %arg21[%add3A_71, %dma_start3A_118] : memref<16x5120xi32, #tpu.memory_space<vmem_shared>> -> memref<1x5120xi32, #tpu.memory_space<vmem_shared>>
        %dma_start3A_120 = tpu.memref_squeeze %dma_start3A_119 : memref<1x5120xi32, #tpu.memory_space<vmem_shared>> -> memref<5120xi32, #tpu.memory_space<vmem_shared>>
        tpu.enqueue_dma source(%dma_start3A_120 : memref<5120xi32, #tpu.memory_space<vmem_shared>>) target(%arg19 : memref<5120xi32, #tpu.memory_space<vmem>>) target_semaphore(%run_scoped3A_115 : memref<!tpu.dma_semaphore, #tpu.memory_space<semaphore_mem>>)
        %dma_wait3A = arith.constant 0 : i32
        %dma_wait3A_121 = tpu.memref_slice %arg21[%add3A_71, %dma_wait3A] : memref<16x5120xi32, #tpu.memory_space<vmem_shared>> -> memref<1x5120xi32, #tpu.memory_space<vmem_shared>>
        %dma_wait3A_122 = tpu.memref_squeeze %dma_wait3A_121 : memref<1x5120xi32, #tpu.memory_space<vmem_shared>> -> memref<5120xi32, #tpu.memory_space<vmem_shared>>
        %dma_wait3A_123 = arith.constant 0 : i32
        %dma_wait3A_124 = tpu.memref_slice %arg21[%add3A_71, %dma_wait3A_123] : memref<16x5120xi32, #tpu.memory_space<vmem_shared>> -> memref<1x5120xi32, #tpu.memory_space<vmem_shared>>
        %dma_wait3A_125 = tpu.memref_squeeze %dma_wait3A_124 : memref<1x5120xi32, #tpu.memory_space<vmem_shared>> -> memref<5120xi32, #tpu.memory_space<vmem_shared>>
        tpu.wait_dma2 semaphore(%run_scoped3A_115 : memref<!tpu.dma_semaphore, #tpu.memory_space<semaphore_mem>>) src(%dma_wait3A_125 : memref<5120xi32, #tpu.memory_space<vmem_shared>>) dst(%arg19 : memref<5120xi32, #tpu.memory_space<vmem>>)
        tpu.yield
      }) : () -> ()
      %scan3A_72 = arith.constant 0 : i32
      %scan3A_73 = arith.constant 0 : i32
      %scan3A_74 = arith.constant 320 : i32
      %scan3A_75 = arith.addi %scan3A_73, %scan3A_74 : i32
      %scan3A_76 = arith.constant 1 : i32
      %scan3A_77 = scf.for %scan3A_115 = %scan3A_73 to %scan3A_75 step %scan3A_76 iter_args(%scan3A_116 = %scan3A_72) -> (i32)  : i32 {
        %mul3A_117 = arith.constant 16 : i32
        %mul3A_118 = arith.muli %scan3A_115, %mul3A_117 : i32
        %get3A_119 = arith.index_cast %mul3A_118 : i32 to index
        %get3A_120 = tpu.vector_load %arg18[%get3A_119] {strides = array<i32>} : memref<5120xi32, #tpu.memory_space<vmem>>, vector<16xi32>,
        %get3A_121 = arith.index_cast %mul3A_118 : i32 to index
        %get3A_122 = tpu.vector_load %arg19[%get3A_121] {strides = array<i32>} : memref<5120xi32, #tpu.memory_space<vmem>>, vector<16xi32>,
        %or3A = arith.ori %get3A_120, %get3A_122 : vector<16xi32>
        %swap3A = arith.index_cast %mul3A_118 : i32 to index
        %swap3A_123 = tpu.vector_load %arg18[%swap3A] {strides = array<i32>} : memref<5120xi32, #tpu.memory_space<vmem>>, vector<16xi32>,
        tpu.vector_store %arg18[%swap3A], %or3A {strides = array<i32>} : memref<5120xi32, #tpu.memory_space<vmem>>, vector<16xi32>,
        %scan3A_124 = arith.constant 0 : i32
        scf.yield %scan3A_124 : i32
      }
      %scan3A_78 = arith.constant 320 : i32
      %add3A_79 = arith.constant 4 : i32
      %add3A_80 = arith.addi %arg1, %add3A_79 : i32
      "tpu.region"() ({
        %run_scoped3A_115 = tpu.sem_alloc : memref<!tpu.dma_semaphore, #tpu.memory_space<semaphore_mem>>
        %dma_start3A = arith.constant 0 : i32
        %dma_start3A_116 = tpu.memref_slice %arg21[%add3A_80, %dma_start3A] : memref<16x5120xi32, #tpu.memory_space<vmem_shared>> -> memref<1x5120xi32, #tpu.memory_space<vmem_shared>>
        %dma_start3A_117 = tpu.memref_squeeze %dma_start3A_116 : memref<1x5120xi32, #tpu.memory_space<vmem_shared>> -> memref<5120xi32, #tpu.memory_space<vmem_shared>>
        %dma_start3A_118 = arith.constant 0 : i32
        %dma_start3A_119 = tpu.memref_slice %arg21[%add3A_80, %dma_start3A_118] : memref<16x5120xi32, #tpu.memory_space<vmem_shared>> -> memref<1x5120xi32, #tpu.memory_space<vmem_shared>>
        %dma_start3A_120 = tpu.memref_squeeze %dma_start3A_119 : memref<1x5120xi32, #tpu.memory_space<vmem_shared>> -> memref<5120xi32, #tpu.memory_space<vmem_shared>>
        tpu.enqueue_dma source(%dma_start3A_120 : memref<5120xi32, #tpu.memory_space<vmem_shared>>) target(%arg19 : memref<5120xi32, #tpu.memory_space<vmem>>) target_semaphore(%run_scoped3A_115 : memref<!tpu.dma_semaphore, #tpu.memory_space<semaphore_mem>>)
        %dma_wait3A = arith.constant 0 : i32
        %dma_wait3A_121 = tpu.memref_slice %arg21[%add3A_80, %dma_wait3A] : memref<16x5120xi32, #tpu.memory_space<vmem_shared>> -> memref<1x5120xi32, #tpu.memory_space<vmem_shared>>
        %dma_wait3A_122 = tpu.memref_squeeze %dma_wait3A_121 : memref<1x5120xi32, #tpu.memory_space<vmem_shared>> -> memref<5120xi32, #tpu.memory_space<vmem_shared>>
        %dma_wait3A_123 = arith.constant 0 : i32
        %dma_wait3A_124 = tpu.memref_slice %arg21[%add3A_80, %dma_wait3A_123] : memref<16x5120xi32, #tpu.memory_space<vmem_shared>> -> memref<1x5120xi32, #tpu.memory_space<vmem_shared>>
        %dma_wait3A_125 = tpu.memref_squeeze %dma_wait3A_124 : memref<1x5120xi32, #tpu.memory_space<vmem_shared>> -> memref<5120xi32, #tpu.memory_space<vmem_shared>>
        tpu.wait_dma2 semaphore(%run_scoped3A_115 : memref<!tpu.dma_semaphore, #tpu.memory_space<semaphore_mem>>) src(%dma_wait3A_125 : memref<5120xi32, #tpu.memory_space<vmem_shared>>) dst(%arg19 : memref<5120xi32, #tpu.memory_space<vmem>>)
        tpu.yield
      }) : () -> ()
      %scan3A_81 = arith.constant 0 : i32
      %scan3A_82 = arith.constant 0 : i32
      %scan3A_83 = arith.constant 320 : i32
      %scan3A_84 = arith.addi %scan3A_82, %scan3A_83 : i32
      %scan3A_85 = arith.constant 1 : i32
      %scan3A_86 = scf.for %scan3A_115 = %scan3A_82 to %scan3A_84 step %scan3A_85 iter_args(%scan3A_116 = %scan3A_81) -> (i32)  : i32 {
        %mul3A_117 = arith.constant 16 : i32
        %mul3A_118 = arith.muli %scan3A_115, %mul3A_117 : i32
        %get3A_119 = arith.index_cast %mul3A_118 : i32 to index
        %get3A_120 = tpu.vector_load %arg18[%get3A_119] {strides = array<i32>} : memref<5120xi32, #tpu.memory_space<vmem>>, vector<16xi32>,
        %get3A_121 = arith.index_cast %mul3A_118 : i32 to index
        %get3A_122 = tpu.vector_load %arg19[%get3A_121] {strides = array<i32>} : memref<5120xi32, #tpu.memory_space<vmem>>, vector<16xi32>,
        %or3A = arith.ori %get3A_120, %get3A_122 : vector<16xi32>
        %swap3A = arith.index_cast %mul3A_118 : i32 to index
        %swap3A_123 = tpu.vector_load %arg18[%swap3A] {strides = array<i32>} : memref<5120xi32, #tpu.memory_space<vmem>>, vector<16xi32>,
        tpu.vector_store %arg18[%swap3A], %or3A {strides = array<i32>} : memref<5120xi32, #tpu.memory_space<vmem>>, vector<16xi32>,
        %scan3A_124 = arith.constant 0 : i32
        scf.yield %scan3A_124 : i32
      }
      %scan3A_87 = arith.constant 320 : i32
      %add3A_88 = arith.constant 5 : i32
      %add3A_89 = arith.addi %arg1, %add3A_88 : i32
      "tpu.region"() ({
        %run_scoped3A_115 = tpu.sem_alloc : memref<!tpu.dma_semaphore, #tpu.memory_space<semaphore_mem>>
        %dma_start3A = arith.constant 0 : i32
        %dma_start3A_116 = tpu.memref_slice %arg21[%add3A_89, %dma_start3A] : memref<16x5120xi32, #tpu.memory_space<vmem_shared>> -> memref<1x5120xi32, #tpu.memory_space<vmem_shared>>
        %dma_start3A_117 = tpu.memref_squeeze %dma_start3A_116 : memref<1x5120xi32, #tpu.memory_space<vmem_shared>> -> memref<5120xi32, #tpu.memory_space<vmem_shared>>
        %dma_start3A_118 = arith.constant 0 : i32
        %dma_start3A_119 = tpu.memref_slice %arg21[%add3A_89, %dma_start3A_118] : memref<16x5120xi32, #tpu.memory_space<vmem_shared>> -> memref<1x5120xi32, #tpu.memory_space<vmem_shared>>
        %dma_start3A_120 = tpu.memref_squeeze %dma_start3A_119 : memref<1x5120xi32, #tpu.memory_space<vmem_shared>> -> memref<5120xi32, #tpu.memory_space<vmem_shared>>
        tpu.enqueue_dma source(%dma_start3A_120 : memref<5120xi32, #tpu.memory_space<vmem_shared>>) target(%arg19 : memref<5120xi32, #tpu.memory_space<vmem>>) target_semaphore(%run_scoped3A_115 : memref<!tpu.dma_semaphore, #tpu.memory_space<semaphore_mem>>)
        %dma_wait3A = arith.constant 0 : i32
        %dma_wait3A_121 = tpu.memref_slice %arg21[%add3A_89, %dma_wait3A] : memref<16x5120xi32, #tpu.memory_space<vmem_shared>> -> memref<1x5120xi32, #tpu.memory_space<vmem_shared>>
        %dma_wait3A_122 = tpu.memref_squeeze %dma_wait3A_121 : memref<1x5120xi32, #tpu.memory_space<vmem_shared>> -> memref<5120xi32, #tpu.memory_space<vmem_shared>>
        %dma_wait3A_123 = arith.constant 0 : i32
        %dma_wait3A_124 = tpu.memref_slice %arg21[%add3A_89, %dma_wait3A_123] : memref<16x5120xi32, #tpu.memory_space<vmem_shared>> -> memref<1x5120xi32, #tpu.memory_space<vmem_shared>>
        %dma_wait3A_125 = tpu.memref_squeeze %dma_wait3A_124 : memref<1x5120xi32, #tpu.memory_space<vmem_shared>> -> memref<5120xi32, #tpu.memory_space<vmem_shared>>
        tpu.wait_dma2 semaphore(%run_scoped3A_115 : memref<!tpu.dma_semaphore, #tpu.memory_space<semaphore_mem>>) src(%dma_wait3A_125 : memref<5120xi32, #tpu.memory_space<vmem_shared>>) dst(%arg19 : memref<5120xi32, #tpu.memory_space<vmem>>)
        tpu.yield
      }) : () -> ()
      %scan3A_90 = arith.constant 0 : i32
      %scan3A_91 = arith.constant 0 : i32
      %scan3A_92 = arith.constant 320 : i32
      %scan3A_93 = arith.addi %scan3A_91, %scan3A_92 : i32
      %scan3A_94 = arith.constant 1 : i32
      %scan3A_95 = scf.for %scan3A_115 = %scan3A_91 to %scan3A_93 step %scan3A_94 iter_args(%scan3A_116 = %scan3A_90) -> (i32)  : i32 {
        %mul3A_117 = arith.constant 16 : i32
        %mul3A_118 = arith.muli %scan3A_115, %mul3A_117 : i32
        %get3A_119 = arith.index_cast %mul3A_118 : i32 to index
        %get3A_120 = tpu.vector_load %arg18[%get3A_119] {strides = array<i32>} : memref<5120xi32, #tpu.memory_space<vmem>>, vector<16xi32>,
        %get3A_121 = arith.index_cast %mul3A_118 : i32 to index
        %get3A_122 = tpu.vector_load %arg19[%get3A_121] {strides = array<i32>} : memref<5120xi32, #tpu.memory_space<vmem>>, vector<16xi32>,
        %or3A = arith.ori %get3A_120, %get3A_122 : vector<16xi32>
        %swap3A = arith.index_cast %mul3A_118 : i32 to index
        %swap3A_123 = tpu.vector_load %arg18[%swap3A] {strides = array<i32>} : memref<5120xi32, #tpu.memory_space<vmem>>, vector<16xi32>,
        tpu.vector_store %arg18[%swap3A], %or3A {strides = array<i32>} : memref<5120xi32, #tpu.memory_space<vmem>>, vector<16xi32>,
        %scan3A_124 = arith.constant 0 : i32
        scf.yield %scan3A_124 : i32
      }
      %scan3A_96 = arith.constant 320 : i32
      %add3A_97 = arith.constant 6 : i32
      %add3A_98 = arith.addi %arg1, %add3A_97 : i32
      "tpu.region"() ({
        %run_scoped3A_115 = tpu.sem_alloc : memref<!tpu.dma_semaphore, #tpu.memory_space<semaphore_mem>>
        %dma_start3A = arith.constant 0 : i32
        %dma_start3A_116 = tpu.memref_slice %arg21[%add3A_98, %dma_start3A] : memref<16x5120xi32, #tpu.memory_space<vmem_shared>> -> memref<1x5120xi32, #tpu.memory_space<vmem_shared>>
        %dma_start3A_117 = tpu.memref_squeeze %dma_start3A_116 : memref<1x5120xi32, #tpu.memory_space<vmem_shared>> -> memref<5120xi32, #tpu.memory_space<vmem_shared>>
        %dma_start3A_118 = arith.constant 0 : i32
        %dma_start3A_119 = tpu.memref_slice %arg21[%add3A_98, %dma_start3A_118] : memref<16x5120xi32, #tpu.memory_space<vmem_shared>> -> memref<1x5120xi32, #tpu.memory_space<vmem_shared>>
        %dma_start3A_120 = tpu.memref_squeeze %dma_start3A_119 : memref<1x5120xi32, #tpu.memory_space<vmem_shared>> -> memref<5120xi32, #tpu.memory_space<vmem_shared>>
        tpu.enqueue_dma source(%dma_start3A_120 : memref<5120xi32, #tpu.memory_space<vmem_shared>>) target(%arg19 : memref<5120xi32, #tpu.memory_space<vmem>>) target_semaphore(%run_scoped3A_115 : memref<!tpu.dma_semaphore, #tpu.memory_space<semaphore_mem>>)
        %dma_wait3A = arith.constant 0 : i32
        %dma_wait3A_121 = tpu.memref_slice %arg21[%add3A_98, %dma_wait3A] : memref<16x5120xi32, #tpu.memory_space<vmem_shared>> -> memref<1x5120xi32, #tpu.memory_space<vmem_shared>>
        %dma_wait3A_122 = tpu.memref_squeeze %dma_wait3A_121 : memref<1x5120xi32, #tpu.memory_space<vmem_shared>> -> memref<5120xi32, #tpu.memory_space<vmem_shared>>
        %dma_wait3A_123 = arith.constant 0 : i32
        %dma_wait3A_124 = tpu.memref_slice %arg21[%add3A_98, %dma_wait3A_123] : memref<16x5120xi32, #tpu.memory_space<vmem_shared>> -> memref<1x5120xi32, #tpu.memory_space<vmem_shared>>
        %dma_wait3A_125 = tpu.memref_squeeze %dma_wait3A_124 : memref<1x5120xi32, #tpu.memory_space<vmem_shared>> -> memref<5120xi32, #tpu.memory_space<vmem_shared>>
        tpu.wait_dma2 semaphore(%run_scoped3A_115 : memref<!tpu.dma_semaphore, #tpu.memory_space<semaphore_mem>>) src(%dma_wait3A_125 : memref<5120xi32, #tpu.memory_space<vmem_shared>>) dst(%arg19 : memref<5120xi32, #tpu.memory_space<vmem>>)
        tpu.yield
      }) : () -> ()
      %scan3A_99 = arith.constant 0 : i32
      %scan3A_100 = arith.constant 0 : i32
      %scan3A_101 = arith.constant 320 : i32
      %scan3A_102 = arith.addi %scan3A_100, %scan3A_101 : i32
      %scan3A_103 = arith.constant 1 : i32
      %scan3A_104 = scf.for %scan3A_115 = %scan3A_100 to %scan3A_102 step %scan3A_103 iter_args(%scan3A_116 = %scan3A_99) -> (i32)  : i32 {
        %mul3A_117 = arith.constant 16 : i32
        %mul3A_118 = arith.muli %scan3A_115, %mul3A_117 : i32
        %get3A_119 = arith.index_cast %mul3A_118 : i32 to index
        %get3A_120 = tpu.vector_load %arg18[%get3A_119] {strides = array<i32>} : memref<5120xi32, #tpu.memory_space<vmem>>, vector<16xi32>,
        %get3A_121 = arith.index_cast %mul3A_118 : i32 to index
        %get3A_122 = tpu.vector_load %arg19[%get3A_121] {strides = array<i32>} : memref<5120xi32, #tpu.memory_space<vmem>>, vector<16xi32>,
        %or3A = arith.ori %get3A_120, %get3A_122 : vector<16xi32>
        %swap3A = arith.index_cast %mul3A_118 : i32 to index
        %swap3A_123 = tpu.vector_load %arg18[%swap3A] {strides = array<i32>} : memref<5120xi32, #tpu.memory_space<vmem>>, vector<16xi32>,
        tpu.vector_store %arg18[%swap3A], %or3A {strides = array<i32>} : memref<5120xi32, #tpu.memory_space<vmem>>, vector<16xi32>,
        %scan3A_124 = arith.constant 0 : i32
        scf.yield %scan3A_124 : i32
      }
      %scan3A_105 = arith.constant 320 : i32
      %add3A_106 = arith.constant 7 : i32
      %add3A_107 = arith.addi %arg1, %add3A_106 : i32
      "tpu.region"() ({
        %run_scoped3A_115 = tpu.sem_alloc : memref<!tpu.dma_semaphore, #tpu.memory_space<semaphore_mem>>
        %dma_start3A = arith.constant 0 : i32
        %dma_start3A_116 = tpu.memref_slice %arg21[%add3A_107, %dma_start3A] : memref<16x5120xi32, #tpu.memory_space<vmem_shared>> -> memref<1x5120xi32, #tpu.memory_space<vmem_shared>>
        %dma_start3A_117 = tpu.memref_squeeze %dma_start3A_116 : memref<1x5120xi32, #tpu.memory_space<vmem_shared>> -> memref<5120xi32, #tpu.memory_space<vmem_shared>>
        %dma_start3A_118 = arith.constant 0 : i32
        %dma_start3A_119 = tpu.memref_slice %arg21[%add3A_107, %dma_start3A_118] : memref<16x5120xi32, #tpu.memory_space<vmem_shared>> -> memref<1x5120xi32, #tpu.memory_space<vmem_shared>>
        %dma_start3A_120 = tpu.memref_squeeze %dma_start3A_119 : memref<1x5120xi32, #tpu.memory_space<vmem_shared>> -> memref<5120xi32, #tpu.memory_space<vmem_shared>>
        tpu.enqueue_dma source(%dma_start3A_120 : memref<5120xi32, #tpu.memory_space<vmem_shared>>) target(%arg19 : memref<5120xi32, #tpu.memory_space<vmem>>) target_semaphore(%run_scoped3A_115 : memref<!tpu.dma_semaphore, #tpu.memory_space<semaphore_mem>>)
        %dma_wait3A = arith.constant 0 : i32
        %dma_wait3A_121 = tpu.memref_slice %arg21[%add3A_107, %dma_wait3A] : memref<16x5120xi32, #tpu.memory_space<vmem_shared>> -> memref<1x5120xi32, #tpu.memory_space<vmem_shared>>
        %dma_wait3A_122 = tpu.memref_squeeze %dma_wait3A_121 : memref<1x5120xi32, #tpu.memory_space<vmem_shared>> -> memref<5120xi32, #tpu.memory_space<vmem_shared>>
        %dma_wait3A_123 = arith.constant 0 : i32
        %dma_wait3A_124 = tpu.memref_slice %arg21[%add3A_107, %dma_wait3A_123] : memref<16x5120xi32, #tpu.memory_space<vmem_shared>> -> memref<1x5120xi32, #tpu.memory_space<vmem_shared>>
        %dma_wait3A_125 = tpu.memref_squeeze %dma_wait3A_124 : memref<1x5120xi32, #tpu.memory_space<vmem_shared>> -> memref<5120xi32, #tpu.memory_space<vmem_shared>>
        tpu.wait_dma2 semaphore(%run_scoped3A_115 : memref<!tpu.dma_semaphore, #tpu.memory_space<semaphore_mem>>) src(%dma_wait3A_125 : memref<5120xi32, #tpu.memory_space<vmem_shared>>) dst(%arg19 : memref<5120xi32, #tpu.memory_space<vmem>>)
        tpu.yield
      }) : () -> ()
      %scan3A_108 = arith.constant 0 : i32
      %scan3A_109 = arith.constant 0 : i32
      %scan3A_110 = arith.constant 320 : i32
      %scan3A_111 = arith.addi %scan3A_109, %scan3A_110 : i32
      %scan3A_112 = arith.constant 1 : i32
      %scan3A_113 = scf.for %scan3A_115 = %scan3A_109 to %scan3A_111 step %scan3A_112 iter_args(%scan3A_116 = %scan3A_108) -> (i32)  : i32 {
        %mul3A_117 = arith.constant 16 : i32
        %mul3A_118 = arith.muli %scan3A_115, %mul3A_117 : i32
        %get3A_119 = arith.index_cast %mul3A_118 : i32 to index
        %get3A_120 = tpu.vector_load %arg18[%get3A_119] {strides = array<i32>} : memref<5120xi32, #tpu.memory_space<vmem>>, vector<16xi32>,
        %get3A_121 = arith.index_cast %mul3A_118 : i32 to index
        %get3A_122 = tpu.vector_load %arg19[%get3A_121] {strides = array<i32>} : memref<5120xi32, #tpu.memory_space<vmem>>, vector<16xi32>,
        %or3A = arith.ori %get3A_120, %get3A_122 : vector<16xi32>
        %swap3A = arith.index_cast %mul3A_118 : i32 to index
        %swap3A_123 = tpu.vector_load %arg18[%swap3A] {strides = array<i32>} : memref<5120xi32, #tpu.memory_space<vmem>>, vector<16xi32>,
        tpu.vector_store %arg18[%swap3A], %or3A {strides = array<i32>} : memref<5120xi32, #tpu.memory_space<vmem>>, vector<16xi32>,
        %scan3A_124 = arith.constant 0 : i32
        scf.yield %scan3A_124 : i32
      }
      %scan3A_114 = arith.constant 320 : i32
      "tpu.region"() ({
        %run_scoped3A_115 = tpu.sem_alloc : memref<!tpu.dma_semaphore, #tpu.memory_space<semaphore_mem>>
        %dma_start3A = arith.constant 0 : i32
        %dma_start3A_116 = tpu.memref_slice %arg4[%add3A_30, %dma_start3A] : memref<4x5120xi32, #tpu.memory_space<hbm>> -> memref<1x5120xi32, #tpu.memory_space<hbm>>
        %dma_start3A_117 = tpu.memref_squeeze %dma_start3A_116 : memref<1x5120xi32, #tpu.memory_space<hbm>> -> memref<5120xi32, #tpu.memory_space<hbm>>
        %dma_start3A_118 = arith.constant 0 : i32
        %dma_start3A_119 = tpu.memref_slice %arg4[%add3A_30, %dma_start3A_118] : memref<4x5120xi32, #tpu.memory_space<hbm>> -> memref<1x5120xi32, #tpu.memory_space<hbm>>
        %dma_start3A_120 = tpu.memref_squeeze %dma_start3A_119 : memref<1x5120xi32, #tpu.memory_space<hbm>> -> memref<5120xi32, #tpu.memory_space<hbm>>
        tpu.enqueue_dma source(%arg18 : memref<5120xi32, #tpu.memory_space<vmem>>) target(%dma_start3A_120 : memref<5120xi32, #tpu.memory_space<hbm>>) target_semaphore(%run_scoped3A_115 : memref<!tpu.dma_semaphore, #tpu.memory_space<semaphore_mem>>)
        %dma_wait3A = arith.constant 0 : i32
        %dma_wait3A_121 = tpu.memref_slice %arg4[%add3A_30, %dma_wait3A] : memref<4x5120xi32, #tpu.memory_space<hbm>> -> memref<1x5120xi32, #tpu.memory_space<hbm>>
        %dma_wait3A_122 = tpu.memref_squeeze %dma_wait3A_121 : memref<1x5120xi32, #tpu.memory_space<hbm>> -> memref<5120xi32, #tpu.memory_space<hbm>>
        %dma_wait3A_123 = arith.constant 0 : i32
        %dma_wait3A_124 = tpu.memref_slice %arg4[%add3A_30, %dma_wait3A_123] : memref<4x5120xi32, #tpu.memory_space<hbm>> -> memref<1x5120xi32, #tpu.memory_space<hbm>>
        %dma_wait3A_125 = tpu.memref_squeeze %dma_wait3A_124 : memref<1x5120xi32, #tpu.memory_space<hbm>> -> memref<5120xi32, #tpu.memory_space<hbm>>
        tpu.wait_dma2 semaphore(%run_scoped3A_115 : memref<!tpu.dma_semaphore, #tpu.memory_space<semaphore_mem>>) src(%arg18 : memref<5120xi32, #tpu.memory_space<vmem>>) dst(%dma_wait3A_125 : memref<5120xi32, #tpu.memory_space<hbm>>)
        tpu.yield
      }) : () -> ()
    } else {
    }
    return
  }
}

module attributes {stable_mosaic.version = 14 : i64} {
  func.func @_scores_kernel(%arg0: i32, %arg1: memref<1x5000x80xf32, #tpu.memory_space<vmem>>, %arg2: memref<1x5000x1xf32, #tpu.memory_space<vmem>>, %arg3: memref<1x5000x1xi32, #tpu.memory_space<vmem>>) attributes {dimension_semantics = [#tpu.dimension_semantics<parallel>], iteration_bounds = array<i64: 4>, scalar_prefetch = 0 : i64, scratch_operands = 0 : i64, tpu.core_type = #tpu.core_type<tc>, window_params = [{transform_indices = @transform_0, window_bounds = array<i64: 1, 5000, 80>}, {transform_indices = @transform_1, window_bounds = array<i64: 1, 5000, 1>}, {transform_indices = @transform_2, window_bounds = array<i64: 1, 5000, 1>}]} {
    %get3A = arith.constant 0 : index
    %get3A_0 = arith.constant 0 : index
    %get3A_1 = arith.constant 0 : index
    %get3A_2 = vector.load %arg1[%get3A, %get3A_0, %get3A_1] : memref<1x5000x80xf32, #tpu.memory_space<vmem>>, vector<1x5000x80xf32>
    %get3A_3 = vector.shape_cast %get3A_2 : vector<1x5000x80xf32> to vector<5000x80xf32>
    %reduce_max3A = arith.constant dense<0xFF800000> : vector<5000xf32>
    %reduce_max3A_4 = vector.multi_reduction <maximumf>, %get3A_3, %reduce_max3A [1] : vector<5000x80xf32> to vector<5000xf32>
    %broadcast_in_dim3A = vector.shape_cast %reduce_max3A_4 : vector<5000xf32> to vector<5000x1xf32>
    %swap3A = arith.constant 0 : index
    %swap3A_5 = arith.constant 0 : index
    %swap3A_6 = arith.constant 0 : index
    %swap3A_7 = vector.load %arg2[%swap3A, %swap3A_5, %swap3A_6] : memref<1x5000x1xf32, #tpu.memory_space<vmem>>, vector<1x5000x1xf32>
    %swap3A_8 = vector.shape_cast %swap3A_7 : vector<1x5000x1xf32> to vector<5000x1xf32>
    %swap3A_9 = vector.shape_cast %broadcast_in_dim3A : vector<5000x1xf32> to vector<1x5000x1xf32>
    tpu.vector_store %arg2[%swap3A, %swap3A_5, %swap3A_6], %swap3A_9 {strides = array<i32>} : memref<1x5000x1xf32, #tpu.memory_space<vmem>>, vector<1x5000x1xf32>,
    %argmax3A = tpu.reduce_index %get3A_3 {axis = 1 : i32, kind = #tpu.reduction_kind<arg_max>} : vector<5000x80xf32> -> vector<5000xi32>
    %broadcast_in_dim3A_10 = vector.shape_cast %argmax3A : vector<5000xi32> to vector<5000x1xi32>
    %swap3A_11 = arith.constant 0 : index
    %swap3A_12 = arith.constant 0 : index
    %swap3A_13 = arith.constant 0 : index
    %swap3A_14 = vector.load %arg3[%swap3A_11, %swap3A_12, %swap3A_13] : memref<1x5000x1xi32, #tpu.memory_space<vmem>>, vector<1x5000x1xi32>
    %swap3A_15 = vector.shape_cast %swap3A_14 : vector<1x5000x1xi32> to vector<5000x1xi32>
    %swap3A_16 = vector.shape_cast %broadcast_in_dim3A_10 : vector<5000x1xi32> to vector<1x5000x1xi32>
    tpu.vector_store %arg3[%swap3A_11, %swap3A_12, %swap3A_13], %swap3A_16 {strides = array<i32>} : memref<1x5000x1xi32, #tpu.memory_space<vmem>>, vector<1x5000x1xi32>,
    return
  }
  func.func @transform_0(%arg0: i32) -> (i32, i32, i32) {
    %c0_i32 = arith.constant 0 : i32
    %c0_i32_0 = arith.constant 0 : i32
    %c0_i32_1 = arith.constant 0 : i32
    return %arg0, %c0_i32, %c0_i32_0 : i32, i32, i32
  }
  func.func @transform_1(%arg0: i32) -> (i32, i32, i32) {
    %c0_i32 = arith.constant 0 : i32
    %c0_i32_0 = arith.constant 0 : i32
    %c0_i32_1 = arith.constant 0 : i32
    return %arg0, %c0_i32, %c0_i32_0 : i32, i32, i32
  }
  func.func @transform_2(%arg0: i32) -> (i32, i32, i32) {
    %c0_i32 = arith.constant 0 : i32
    %c0_i32_0 = arith.constant 0 : i32
    %c0_i32_1 = arith.constant 0 : i32
    return %arg0, %c0_i32, %c0_i32_0 : i32, i32, i32
  }
}

module attributes {stable_mosaic.version = 14 : i64} {
  func.func @_prep_kernel(%arg0: i32, %arg1: memref<4x2xi32, #tpu.memory_space<smem>>, %arg2: memref<2xf32, #tpu.memory_space<smem>>, %arg3: memref<1x1x5120xf32, #tpu.memory_space<vmem>>, %arg4: memref<1x1x5120xi32, #tpu.memory_space<vmem>>, %arg5: memref<1x4x5120xf32, #tpu.memory_space<vmem>>, %arg6: memref<1x4x5120xf32, #tpu.memory_space<vmem>>, %arg7: memref<1x6x5120xf32, #tpu.memory_space<vmem>>) attributes {dimension_semantics = [#tpu.dimension_semantics<parallel>], iteration_bounds = array<i64: 4>, scalar_prefetch = 0 : i64, scratch_operands = 0 : i64, tpu.core_type = #tpu.core_type<tc>, window_params = [{transform_indices = @transform_0, window_bounds = array<i64: 4, 2>}, {transform_indices = @transform_1, window_bounds = array<i64: 2>}, {transform_indices = @transform_2, window_bounds = array<i64: 1, 1, 5120>}, {transform_indices = @transform_3, window_bounds = array<i64: 1, 1, 5120>}, {transform_indices = @transform_4, window_bounds = array<i64: 1, 4, 5120>}, {pipeline_mode = #tpu.pipeline_mode<synchronous>, transform_indices = @transform_5, window_bounds = array<i64: 1, 4, 5120>}, {transform_indices = @transform_6, window_bounds = array<i64: 1, 6, 5120>}]} {
    %get3A = arith.index_cast %arg0 : i32 to index
    %get3A_0 = arith.constant 0 : index
    %get3A_1 = memref.load %arg1[%get3A, %get3A_0] : memref<4x2xi32, #tpu.memory_space<smem>>
    %convert_element_type3A = arith.sitofp %get3A_1 : i32 to f32
    %get3A_2 = arith.index_cast %arg0 : i32 to index
    %get3A_3 = arith.constant 1 : index
    %get3A_4 = memref.load %arg1[%get3A_2, %get3A_3] : memref<4x2xi32, #tpu.memory_space<smem>>
    %convert_element_type3A_5 = arith.sitofp %get3A_4 : i32 to f32
    %get3A_6 = arith.constant 0 : index
    %get3A_7 = arith.constant 0 : index
    %get3A_8 = arith.constant 0 : index
    %get3A_9 = vector.load %arg5[%get3A_6, %get3A_7, %get3A_8] : memref<1x4x5120xf32, #tpu.memory_space<vmem>>, vector<1x4x5120xf32>
    %get3A_10 = vector.shape_cast %get3A_9 : vector<1x4x5120xf32> to vector<4x5120xf32>
    %get3A_11 = arith.constant 0 : index
    %get3A_12 = arith.constant 0 : index
    %get3A_13 = arith.constant 0 : index
    %get3A_14 = vector.load %arg6[%get3A_11, %get3A_12, %get3A_13] : memref<1x4x5120xf32, #tpu.memory_space<vmem>>, vector<1x4x5120xf32>
    %get3A_15 = vector.shape_cast %get3A_14 : vector<1x4x5120xf32> to vector<4x5120xf32>
    %slice3A = vector.extract_strided_slice %get3A_15 {offsets = [0, 0], sizes = [1, 5120], strides = [1, 1]} : vector<4x5120xf32> to vector<1x5120xf32>
    %slice3A_16 = vector.extract_strided_slice %get3A_15 {offsets = [1, 0], sizes = [1, 5120], strides = [1, 1]} : vector<4x5120xf32> to vector<1x5120xf32>
    %slice3A_17 = vector.extract_strided_slice %get3A_15 {offsets = [2, 0], sizes = [1, 5120], strides = [1, 1]} : vector<4x5120xf32> to vector<1x5120xf32>
    %slice3A_18 = vector.extract_strided_slice %get3A_15 {offsets = [3, 0], sizes = [1, 5120], strides = [1, 1]} : vector<4x5120xf32> to vector<1x5120xf32>
    %slice3A_19 = vector.extract_strided_slice %get3A_10 {offsets = [0, 0], sizes = [1, 5120], strides = [1, 1]} : vector<4x5120xf32> to vector<1x5120xf32>
    %slice3A_20 = vector.extract_strided_slice %get3A_10 {offsets = [1, 0], sizes = [1, 5120], strides = [1, 1]} : vector<4x5120xf32> to vector<1x5120xf32>
    %slice3A_21 = vector.extract_strided_slice %get3A_10 {offsets = [2, 0], sizes = [1, 5120], strides = [1, 1]} : vector<4x5120xf32> to vector<1x5120xf32>
    %slice3A_22 = vector.extract_strided_slice %get3A_10 {offsets = [3, 0], sizes = [1, 5120], strides = [1, 1]} : vector<4x5120xf32> to vector<1x5120xf32>
    %sub3A = arith.subf %slice3A_17, %slice3A : vector<1x5120xf32>
    %sub3A_23 = arith.subf %slice3A_18, %slice3A_16 : vector<1x5120xf32>
    %div3A = arith.constant 2.000000e+00 : f32
    %div3A_24 = vector.broadcast %div3A : f32 to vector<1x5120xf32>
    %div3A_25 = arith.divf %sub3A, %div3A_24 : vector<1x5120xf32>
    %add3A = arith.addf %slice3A, %div3A_25 : vector<1x5120xf32>
    %div3A_26 = arith.constant 2.000000e+00 : f32
    %div3A_27 = vector.broadcast %div3A_26 : f32 to vector<1x5120xf32>
    %div3A_28 = arith.divf %sub3A_23, %div3A_27 : vector<1x5120xf32>
    %add3A_29 = arith.addf %slice3A_16, %div3A_28 : vector<1x5120xf32>
    %mul3A = arith.mulf %slice3A_19, %sub3A : vector<1x5120xf32>
    %add3A_30 = arith.addf %add3A, %mul3A : vector<1x5120xf32>
    %mul3A_31 = arith.mulf %slice3A_20, %sub3A_23 : vector<1x5120xf32>
    %add3A_32 = arith.addf %add3A_29, %mul3A_31 : vector<1x5120xf32>
    %exp3A = math.exp %slice3A_21 : vector<1x5120xf32>
    %mul3A_33 = arith.mulf %sub3A, %exp3A : vector<1x5120xf32>
    %exp3A_34 = math.exp %slice3A_22 : vector<1x5120xf32>
    %mul3A_35 = arith.mulf %sub3A_23, %exp3A_34 : vector<1x5120xf32>
    %div3A_36 = arith.constant 2.000000e+00 : f32
    %div3A_37 = vector.broadcast %div3A_36 : f32 to vector<1x5120xf32>
    %div3A_38 = arith.divf %mul3A_33, %div3A_37 : vector<1x5120xf32>
    %sub3A_39 = arith.subf %add3A_30, %div3A_38 : vector<1x5120xf32>
    %div3A_40 = arith.constant 2.000000e+00 : f32
    %div3A_41 = vector.broadcast %div3A_40 : f32 to vector<1x5120xf32>
    %div3A_42 = arith.divf %mul3A_35, %div3A_41 : vector<1x5120xf32>
    %sub3A_43 = arith.subf %add3A_32, %div3A_42 : vector<1x5120xf32>
    %add3A_44 = arith.addf %sub3A_39, %mul3A_33 : vector<1x5120xf32>
    %add3A_45 = arith.addf %sub3A_43, %mul3A_35 : vector<1x5120xf32>
    %sub3A_46 = arith.constant 1.000000e+00 : f32
    %sub3A_47 = arith.subf %convert_element_type3A_5, %sub3A_46 : f32
    %jit3A = arith.constant 0.000000e+00 : f32
    %max3A = vector.broadcast %jit3A : f32 to vector<1x5120xf32>
    %max3A_48 = arith.maximumf %max3A, %sub3A_39 : vector<1x5120xf32>
    %min3A = vector.broadcast %sub3A_47 : f32 to vector<1x5120xf32>
    %min3A_49 = arith.minimumf %min3A, %max3A_48 : vector<1x5120xf32>
    %sub3A_50 = arith.constant 1.000000e+00 : f32
    %sub3A_51 = arith.subf %convert_element_type3A_5, %sub3A_50 : f32
    %jit3A_52 = arith.constant 0.000000e+00 : f32
    %max3A_53 = vector.broadcast %jit3A_52 : f32 to vector<1x5120xf32>
    %max3A_54 = arith.maximumf %max3A_53, %add3A_44 : vector<1x5120xf32>
    %min3A_55 = vector.broadcast %sub3A_51 : f32 to vector<1x5120xf32>
    %min3A_56 = arith.minimumf %min3A_55, %max3A_54 : vector<1x5120xf32>
    %sub3A_57 = arith.constant 1.000000e+00 : f32
    %sub3A_58 = arith.subf %convert_element_type3A, %sub3A_57 : f32
    %jit3A_59 = arith.constant 0.000000e+00 : f32
    %max3A_60 = vector.broadcast %jit3A_59 : f32 to vector<1x5120xf32>
    %max3A_61 = arith.maximumf %max3A_60, %sub3A_43 : vector<1x5120xf32>
    %min3A_62 = vector.broadcast %sub3A_58 : f32 to vector<1x5120xf32>
    %min3A_63 = arith.minimumf %min3A_62, %max3A_61 : vector<1x5120xf32>
    %sub3A_64 = arith.constant 1.000000e+00 : f32
    %sub3A_65 = arith.subf %convert_element_type3A, %sub3A_64 : f32
    %jit3A_66 = arith.constant 0.000000e+00 : f32
    %max3A_67 = vector.broadcast %jit3A_66 : f32 to vector<1x5120xf32>
    %max3A_68 = arith.maximumf %max3A_67, %add3A_45 : vector<1x5120xf32>
    %min3A_69 = vector.broadcast %sub3A_65 : f32 to vector<1x5120xf32>
    %min3A_70 = arith.minimumf %min3A_69, %max3A_68 : vector<1x5120xf32>
    %reduce_max3A = vector.shape_cast %min3A_49 : vector<1x5120xf32> to vector<1x1x5120xf32>
    %reduce_max3A_71 = arith.constant dense<0xFF800000> : vector<1xf32>
    %reduce_max3A_72 = vector.multi_reduction <maximumf>, %reduce_max3A, %reduce_max3A_71 [1, 2] : vector<1x1x5120xf32> to vector<1xf32>
    %reduce_max3A_73 = vector.shape_cast %reduce_max3A_72 : vector<1xf32> to vector<1x1x1xf32>
    %reduce_max3A_74 = vector.extract %reduce_max3A_73[0, 0, 0] : f32 from vector<1x1x1xf32>
    %reduce_max3A_75 = vector.shape_cast %min3A_63 : vector<1x5120xf32> to vector<1x1x5120xf32>
    %reduce_max3A_76 = arith.constant dense<0xFF800000> : vector<1xf32>
    %reduce_max3A_77 = vector.multi_reduction <maximumf>, %reduce_max3A_75, %reduce_max3A_76 [1, 2] : vector<1x1x5120xf32> to vector<1xf32>
    %reduce_max3A_78 = vector.shape_cast %reduce_max3A_77 : vector<1xf32> to vector<1x1x1xf32>
    %reduce_max3A_79 = vector.extract %reduce_max3A_78[0, 0, 0] : f32 from vector<1x1x1xf32>
    %max3A_80 = arith.maximumf %reduce_max3A_74, %reduce_max3A_79 : f32
    %reduce_max3A_81 = vector.shape_cast %min3A_56 : vector<1x5120xf32> to vector<1x1x5120xf32>
    %reduce_max3A_82 = arith.constant dense<0xFF800000> : vector<1xf32>
    %reduce_max3A_83 = vector.multi_reduction <maximumf>, %reduce_max3A_81, %reduce_max3A_82 [1, 2] : vector<1x1x5120xf32> to vector<1xf32>
    %reduce_max3A_84 = vector.shape_cast %reduce_max3A_83 : vector<1xf32> to vector<1x1x1xf32>
    %reduce_max3A_85 = vector.extract %reduce_max3A_84[0, 0, 0] : f32 from vector<1x1x1xf32>
    %reduce_max3A_86 = vector.shape_cast %min3A_70 : vector<1x5120xf32> to vector<1x1x5120xf32>
    %reduce_max3A_87 = arith.constant dense<0xFF800000> : vector<1xf32>
    %reduce_max3A_88 = vector.multi_reduction <maximumf>, %reduce_max3A_86, %reduce_max3A_87 [1, 2] : vector<1x1x5120xf32> to vector<1xf32>
    %reduce_max3A_89 = vector.shape_cast %reduce_max3A_88 : vector<1xf32> to vector<1x1x1xf32>
    %reduce_max3A_90 = vector.extract %reduce_max3A_89[0, 0, 0] : f32 from vector<1x1x1xf32>
    %max3A_91 = arith.maximumf %reduce_max3A_85, %reduce_max3A_90 : f32
    %max3A_92 = arith.maximumf %max3A_80, %max3A_91 : f32
    %add3A_93 = arith.constant 1.000000e+00 : f32
    %add3A_94 = arith.addf %max3A_92, %add3A_93 : f32
    %get3A_95 = arith.constant 0 : index
    %get3A_96 = arith.constant 0 : index
    %get3A_97 = arith.constant 0 : index
    %get3A_98 = vector.load %arg3[%get3A_95, %get3A_96, %get3A_97] : memref<1x1x5120xf32, #tpu.memory_space<vmem>>, vector<1x1x5120xf32>
    %get3A_99 = vector.shape_cast %get3A_98 : vector<1x1x5120xf32> to vector<1x5120xf32>
    %get3A_100 = arith.constant 0 : index
    %get3A_101 = arith.constant 0 : index
    %get3A_102 = arith.constant 0 : index
    %get3A_103 = vector.load %arg4[%get3A_100, %get3A_101, %get3A_102] : memref<1x1x5120xi32, #tpu.memory_space<vmem>>, vector<1x1x5120xi32>
    %get3A_104 = vector.shape_cast %get3A_103 : vector<1x1x5120xi32> to vector<1x5120xi32>
    %convert_element_type3A_105 = arith.sitofp %get3A_104 : vector<1x5120xi32> to vector<1x5120xf32>
    %mul3A_106 = vector.broadcast %add3A_94 : f32 to vector<1x5120xf32>
    %mul3A_107 = arith.mulf %convert_element_type3A_105, %mul3A_106 : vector<1x5120xf32>
    %get3A_108 = arith.constant 0 : index
    %get3A_109 = memref.load %arg2[%get3A_108] : memref<2xf32, #tpu.memory_space<smem>>
    %ge3A = vector.broadcast %get3A_109 : f32 to vector<1x5120xf32>
    %ge3A_110 = arith.cmpf oge, %get3A_99, %ge3A : vector<1x5120xf32>
    %broadcast_in_dim3A = arith.constant -1.000000e+00 : f32
    %broadcast_in_dim3A_111 = vector.broadcast %broadcast_in_dim3A : f32 to vector<1x5120xf32>
    %select_n3A = arith.select %ge3A_110, %convert_element_type3A_105, %broadcast_in_dim3A_111 : vector<1x5120xi1>, vector<1x5120xf32>
    %add3A_112 = arith.addf %min3A_49, %mul3A_107 : vector<1x5120xf32>
    %add3A_113 = arith.addf %min3A_63, %mul3A_107 : vector<1x5120xf32>
    %add3A_114 = arith.addf %min3A_56, %mul3A_107 : vector<1x5120xf32>
    %add3A_115 = arith.addf %min3A_70, %mul3A_107 : vector<1x5120xf32>
    %concatenate3A = tpu.concatenate %add3A_112, %add3A_113, %add3A_114, %add3A_115, %get3A_99, %select_n3A in 0 : vector<1x5120xf32>, vector<1x5120xf32>, vector<1x5120xf32>, vector<1x5120xf32>, vector<1x5120xf32>, vector<1x5120xf32> -> vector<6x5120xf32>
    %swap3A = arith.constant 0 : index
    %swap3A_116 = arith.constant 0 : index
    %swap3A_117 = arith.constant 0 : index
    %swap3A_118 = vector.load %arg7[%swap3A, %swap3A_116, %swap3A_117] : memref<1x6x5120xf32, #tpu.memory_space<vmem>>, vector<1x6x5120xf32>
    %swap3A_119 = vector.shape_cast %swap3A_118 : vector<1x6x5120xf32> to vector<6x5120xf32>
    %swap3A_120 = vector.shape_cast %concatenate3A : vector<6x5120xf32> to vector<1x6x5120xf32>
    tpu.vector_store %arg7[%swap3A, %swap3A_116, %swap3A_117], %swap3A_120 {strides = array<i32>} : memref<1x6x5120xf32, #tpu.memory_space<vmem>>, vector<1x6x5120xf32>,
    return
  }
  func.func @transform_0(%arg0: i32) -> (i32, i32) {
    %c0_i32 = arith.constant 0 : i32
    %c0_i32_0 = arith.constant 0 : i32
    %c0_i32_1 = arith.constant 0 : i32
    return %c0_i32, %c0_i32_0 : i32, i32
  }
  func.func @transform_1(%arg0: i32) -> i32 {
    %c0_i32 = arith.constant 0 : i32
    %c0_i32_0 = arith.constant 0 : i32
    return %c0_i32 : i32
  }
  func.func @transform_2(%arg0: i32) -> (i32, i32, i32) {
    %c0_i32 = arith.constant 0 : i32
    %c0_i32_0 = arith.constant 0 : i32
    %c0_i32_1 = arith.constant 0 : i32
    return %arg0, %c0_i32, %c0_i32_0 : i32, i32, i32
  }
  func.func @transform_3(%arg0: i32) -> (i32, i32, i32) {
    %c0_i32 = arith.constant 0 : i32
    %c0_i32_0 = arith.constant 0 : i32
    %c0_i32_1 = arith.constant 0 : i32
    return %arg0, %c0_i32, %c0_i32_0 : i32, i32, i32
  }
  func.func @transform_4(%arg0: i32) -> (i32, i32, i32) {
    %c0_i32 = arith.constant 0 : i32
    %c0_i32_0 = arith.constant 0 : i32
    %c0_i32_1 = arith.constant 0 : i32
    return %arg0, %c0_i32, %c0_i32_0 : i32, i32, i32
  }
  func.func @transform_5(%arg0: i32) -> (i32, i32, i32) {
    %c0_i32 = arith.constant 0 : i32
    %c0_i32_0 = arith.constant 0 : i32
    %c0_i32_1 = arith.constant 0 : i32
    %c0_i32_2 = arith.constant 0 : i32
    return %c0_i32, %c0_i32_0, %c0_i32_1 : i32, i32, i32
  }
  func.func @transform_6(%arg0: i32) -> (i32, i32, i32) {
    %c0_i32 = arith.constant 0 : i32
    %c0_i32_0 = arith.constant 0 : i32
    %c0_i32_1 = arith.constant 0 : i32
    return %arg0, %c0_i32, %c0_i32_0 : i32, i32, i32
  }
}

module attributes {stable_mosaic.version = 14 : i64} {
  func.func @_final_kernel(%arg0: i32, %arg1: memref<4x2xi32, #tpu.memory_space<smem>>, %arg2: memref<4x2xi32, #tpu.memory_space<smem>>, %arg3: memref<1x1x5120xf32, #tpu.memory_space<vmem>>, %arg4: memref<1x1x5120xi32, #tpu.memory_space<vmem>>, %arg5: memref<1x4x5120xf32, #tpu.memory_space<vmem>>, %arg6: memref<1x4x5120xf32, #tpu.memory_space<vmem>>, %arg7: memref<1x1x5120xi32, #tpu.memory_space<vmem>>, %arg8: memref<1x4x5120xf32, #tpu.memory_space<vmem>>, %arg9: memref<1x1x5120xf32, #tpu.memory_space<vmem>>, %arg10: memref<1x1x5120xi32, #tpu.memory_space<vmem>>, %arg11: memref<1x1x5120xi32, #tpu.memory_space<vmem>>) attributes {dimension_semantics = [#tpu.dimension_semantics<parallel>], iteration_bounds = array<i64: 4>, scalar_prefetch = 0 : i64, scratch_operands = 0 : i64, tpu.core_type = #tpu.core_type<tc>, window_params = [{transform_indices = @transform_0, window_bounds = array<i64: 4, 2>}, {transform_indices = @transform_1, window_bounds = array<i64: 4, 2>}, {transform_indices = @transform_2, window_bounds = array<i64: 1, 1, 5120>}, {transform_indices = @transform_3, window_bounds = array<i64: 1, 1, 5120>}, {transform_indices = @transform_4, window_bounds = array<i64: 1, 4, 5120>}, {pipeline_mode = #tpu.pipeline_mode<synchronous>, transform_indices = @transform_5, window_bounds = array<i64: 1, 4, 5120>}, {transform_indices = @transform_6, window_bounds = array<i64: 1, 1, 5120>}, {transform_indices = @transform_7, window_bounds = array<i64: 1, 4, 5120>}, {transform_indices = @transform_8, window_bounds = array<i64: 1, 1, 5120>}, {transform_indices = @transform_9, window_bounds = array<i64: 1, 1, 5120>}, {transform_indices = @transform_10, window_bounds = array<i64: 1, 1, 5120>}]} {
    %get3A = arith.index_cast %arg0 : i32 to index
    %get3A_0 = arith.constant 0 : index
    %get3A_1 = memref.load %arg1[%get3A, %get3A_0] : memref<4x2xi32, #tpu.memory_space<smem>>
    %convert_element_type3A = arith.sitofp %get3A_1 : i32 to f32
    %get3A_2 = arith.index_cast %arg0 : i32 to index
    %get3A_3 = arith.constant 1 : index
    %get3A_4 = memref.load %arg1[%get3A_2, %get3A_3] : memref<4x2xi32, #tpu.memory_space<smem>>
    %convert_element_type3A_5 = arith.sitofp %get3A_4 : i32 to f32
    %get3A_6 = arith.constant 0 : index
    %get3A_7 = arith.constant 0 : index
    %get3A_8 = arith.constant 0 : index
    %get3A_9 = vector.load %arg5[%get3A_6, %get3A_7, %get3A_8] : memref<1x4x5120xf32, #tpu.memory_space<vmem>>, vector<1x4x5120xf32>
    %get3A_10 = vector.shape_cast %get3A_9 : vector<1x4x5120xf32> to vector<4x5120xf32>
    %get3A_11 = arith.constant 0 : index
    %get3A_12 = arith.constant 0 : index
    %get3A_13 = arith.constant 0 : index
    %get3A_14 = vector.load %arg6[%get3A_11, %get3A_12, %get3A_13] : memref<1x4x5120xf32, #tpu.memory_space<vmem>>, vector<1x4x5120xf32>
    %get3A_15 = vector.shape_cast %get3A_14 : vector<1x4x5120xf32> to vector<4x5120xf32>
    %slice3A = vector.extract_strided_slice %get3A_15 {offsets = [0, 0], sizes = [1, 5120], strides = [1, 1]} : vector<4x5120xf32> to vector<1x5120xf32>
    %slice3A_16 = vector.extract_strided_slice %get3A_15 {offsets = [1, 0], sizes = [1, 5120], strides = [1, 1]} : vector<4x5120xf32> to vector<1x5120xf32>
    %slice3A_17 = vector.extract_strided_slice %get3A_15 {offsets = [2, 0], sizes = [1, 5120], strides = [1, 1]} : vector<4x5120xf32> to vector<1x5120xf32>
    %slice3A_18 = vector.extract_strided_slice %get3A_15 {offsets = [3, 0], sizes = [1, 5120], strides = [1, 1]} : vector<4x5120xf32> to vector<1x5120xf32>
    %slice3A_19 = vector.extract_strided_slice %get3A_10 {offsets = [0, 0], sizes = [1, 5120], strides = [1, 1]} : vector<4x5120xf32> to vector<1x5120xf32>
    %slice3A_20 = vector.extract_strided_slice %get3A_10 {offsets = [1, 0], sizes = [1, 5120], strides = [1, 1]} : vector<4x5120xf32> to vector<1x5120xf32>
    %slice3A_21 = vector.extract_strided_slice %get3A_10 {offsets = [2, 0], sizes = [1, 5120], strides = [1, 1]} : vector<4x5120xf32> to vector<1x5120xf32>
    %slice3A_22 = vector.extract_strided_slice %get3A_10 {offsets = [3, 0], sizes = [1, 5120], strides = [1, 1]} : vector<4x5120xf32> to vector<1x5120xf32>
    %sub3A = arith.subf %slice3A_17, %slice3A : vector<1x5120xf32>
    %sub3A_23 = arith.subf %slice3A_18, %slice3A_16 : vector<1x5120xf32>
    %div3A = arith.constant 2.000000e+00 : f32
    %div3A_24 = vector.broadcast %div3A : f32 to vector<1x5120xf32>
    %div3A_25 = arith.divf %sub3A, %div3A_24 : vector<1x5120xf32>
    %add3A = arith.addf %slice3A, %div3A_25 : vector<1x5120xf32>
    %div3A_26 = arith.constant 2.000000e+00 : f32
    %div3A_27 = vector.broadcast %div3A_26 : f32 to vector<1x5120xf32>
    %div3A_28 = arith.divf %sub3A_23, %div3A_27 : vector<1x5120xf32>
    %add3A_29 = arith.addf %slice3A_16, %div3A_28 : vector<1x5120xf32>
    %mul3A = arith.mulf %slice3A_19, %sub3A : vector<1x5120xf32>
    %add3A_30 = arith.addf %add3A, %mul3A : vector<1x5120xf32>
    %mul3A_31 = arith.mulf %slice3A_20, %sub3A_23 : vector<1x5120xf32>
    %add3A_32 = arith.addf %add3A_29, %mul3A_31 : vector<1x5120xf32>
    %exp3A = math.exp %slice3A_21 : vector<1x5120xf32>
    %mul3A_33 = arith.mulf %sub3A, %exp3A : vector<1x5120xf32>
    %exp3A_34 = math.exp %slice3A_22 : vector<1x5120xf32>
    %mul3A_35 = arith.mulf %sub3A_23, %exp3A_34 : vector<1x5120xf32>
    %div3A_36 = arith.constant 2.000000e+00 : f32
    %div3A_37 = vector.broadcast %div3A_36 : f32 to vector<1x5120xf32>
    %div3A_38 = arith.divf %mul3A_33, %div3A_37 : vector<1x5120xf32>
    %sub3A_39 = arith.subf %add3A_30, %div3A_38 : vector<1x5120xf32>
    %div3A_40 = arith.constant 2.000000e+00 : f32
    %div3A_41 = vector.broadcast %div3A_40 : f32 to vector<1x5120xf32>
    %div3A_42 = arith.divf %mul3A_35, %div3A_41 : vector<1x5120xf32>
    %sub3A_43 = arith.subf %add3A_32, %div3A_42 : vector<1x5120xf32>
    %add3A_44 = arith.addf %sub3A_39, %mul3A_33 : vector<1x5120xf32>
    %add3A_45 = arith.addf %sub3A_43, %mul3A_35 : vector<1x5120xf32>
    %sub3A_46 = arith.constant 1.000000e+00 : f32
    %sub3A_47 = arith.subf %convert_element_type3A_5, %sub3A_46 : f32
    %jit3A = arith.constant 0.000000e+00 : f32
    %max3A = vector.broadcast %jit3A : f32 to vector<1x5120xf32>
    %max3A_48 = arith.maximumf %max3A, %sub3A_39 : vector<1x5120xf32>
    %min3A = vector.broadcast %sub3A_47 : f32 to vector<1x5120xf32>
    %min3A_49 = arith.minimumf %min3A, %max3A_48 : vector<1x5120xf32>
    %sub3A_50 = arith.constant 1.000000e+00 : f32
    %sub3A_51 = arith.subf %convert_element_type3A_5, %sub3A_50 : f32
    %jit3A_52 = arith.constant 0.000000e+00 : f32
    %max3A_53 = vector.broadcast %jit3A_52 : f32 to vector<1x5120xf32>
    %max3A_54 = arith.maximumf %max3A_53, %add3A_44 : vector<1x5120xf32>
    %min3A_55 = vector.broadcast %sub3A_51 : f32 to vector<1x5120xf32>
    %min3A_56 = arith.minimumf %min3A_55, %max3A_54 : vector<1x5120xf32>
    %sub3A_57 = arith.constant 1.000000e+00 : f32
    %sub3A_58 = arith.subf %convert_element_type3A, %sub3A_57 : f32
    %jit3A_59 = arith.constant 0.000000e+00 : f32
    %max3A_60 = vector.broadcast %jit3A_59 : f32 to vector<1x5120xf32>
    %max3A_61 = arith.maximumf %max3A_60, %sub3A_43 : vector<1x5120xf32>
    %min3A_62 = vector.broadcast %sub3A_58 : f32 to vector<1x5120xf32>
    %min3A_63 = arith.minimumf %min3A_62, %max3A_61 : vector<1x5120xf32>
    %sub3A_64 = arith.constant 1.000000e+00 : f32
    %sub3A_65 = arith.subf %convert_element_type3A, %sub3A_64 : f32
    %jit3A_66 = arith.constant 0.000000e+00 : f32
    %max3A_67 = vector.broadcast %jit3A_66 : f32 to vector<1x5120xf32>
    %max3A_68 = arith.maximumf %max3A_67, %add3A_45 : vector<1x5120xf32>
    %min3A_69 = vector.broadcast %sub3A_65 : f32 to vector<1x5120xf32>
    %min3A_70 = arith.minimumf %min3A_69, %max3A_68 : vector<1x5120xf32>
    %get3A_71 = arith.constant 0 : index
    %get3A_72 = arith.constant 0 : index
    %get3A_73 = arith.constant 0 : index
    %get3A_74 = vector.load %arg3[%get3A_71, %get3A_72, %get3A_73] : memref<1x1x5120xf32, #tpu.memory_space<vmem>>, vector<1x1x5120xf32>
    %get3A_75 = vector.shape_cast %get3A_74 : vector<1x1x5120xf32> to vector<1x5120xf32>
    %get3A_76 = arith.constant 0 : index
    %get3A_77 = arith.constant 0 : index
    %get3A_78 = arith.constant 0 : index
    %get3A_79 = vector.load %arg4[%get3A_76, %get3A_77, %get3A_78] : memref<1x1x5120xi32, #tpu.memory_space<vmem>>, vector<1x1x5120xi32>
    %get3A_80 = vector.shape_cast %get3A_79 : vector<1x1x5120xi32> to vector<1x5120xi32>
    %get3A_81 = arith.constant 0 : index
    %get3A_82 = arith.constant 0 : index
    %get3A_83 = arith.constant 0 : index
    %get3A_84 = vector.load %arg7[%get3A_81, %get3A_82, %get3A_83] : memref<1x1x5120xi32, #tpu.memory_space<vmem>>, vector<1x1x5120xi32>
    %get3A_85 = vector.shape_cast %get3A_84 : vector<1x1x5120xi32> to vector<1x5120xi32>
    %gt3A = arith.constant 0 : i32
    %gt3A_86 = vector.broadcast %gt3A : i32 to vector<1x5120xi32>
    %gt3A_87 = arith.cmpi sgt, %get3A_85, %gt3A_86 : vector<1x5120xi32>
    %get3A_88 = arith.index_cast %arg0 : i32 to index
    %get3A_89 = arith.constant 0 : index
    %get3A_90 = memref.load %arg2[%get3A_88, %get3A_89] : memref<4x2xi32, #tpu.memory_space<smem>>
    %convert_element_type3A_91 = arith.sitofp %get3A_90 : i32 to f32
    %get3A_92 = arith.index_cast %arg0 : i32 to index
    %get3A_93 = arith.constant 0 : index
    %get3A_94 = memref.load %arg1[%get3A_92, %get3A_93] : memref<4x2xi32, #tpu.memory_space<smem>>
    %convert_element_type3A_95 = arith.sitofp %get3A_94 : i32 to f32
    %div3A_96 = arith.divf %convert_element_type3A_91, %convert_element_type3A_95 : f32
    %broadcast_in_dim3A = arith.constant 0.000000e+00 : f32
    %broadcast_in_dim3A_97 = vector.broadcast %broadcast_in_dim3A : f32 to vector<1x5120xf32>
    %mul3A_98 = vector.broadcast %div3A_96 : f32 to vector<1x5120xf32>
    %mul3A_99 = arith.mulf %min3A_49, %mul3A_98 : vector<1x5120xf32>
    %select_n3A = arith.select %gt3A_87, %mul3A_99, %broadcast_in_dim3A_97 : vector<1x5120xi1>, vector<1x5120xf32>
    %mul3A_100 = vector.broadcast %div3A_96 : f32 to vector<1x5120xf32>
    %mul3A_101 = arith.mulf %min3A_63, %mul3A_100 : vector<1x5120xf32>
    %select_n3A_102 = arith.select %gt3A_87, %mul3A_101, %broadcast_in_dim3A_97 : vector<1x5120xi1>, vector<1x5120xf32>
    %mul3A_103 = vector.broadcast %div3A_96 : f32 to vector<1x5120xf32>
    %mul3A_104 = arith.mulf %min3A_56, %mul3A_103 : vector<1x5120xf32>
    %select_n3A_105 = arith.select %gt3A_87, %mul3A_104, %broadcast_in_dim3A_97 : vector<1x5120xi1>, vector<1x5120xf32>
    %mul3A_106 = vector.broadcast %div3A_96 : f32 to vector<1x5120xf32>
    %mul3A_107 = arith.mulf %min3A_70, %mul3A_106 : vector<1x5120xf32>
    %select_n3A_108 = arith.select %gt3A_87, %mul3A_107, %broadcast_in_dim3A_97 : vector<1x5120xi1>, vector<1x5120xf32>
    %concatenate3A = tpu.concatenate %select_n3A, %select_n3A_102, %select_n3A_105, %select_n3A_108 in 0 : vector<1x5120xf32>, vector<1x5120xf32>, vector<1x5120xf32>, vector<1x5120xf32> -> vector<4x5120xf32>
    %swap3A = arith.constant 0 : index
    %swap3A_109 = arith.constant 0 : index
    %swap3A_110 = arith.constant 0 : index
    %swap3A_111 = vector.load %arg8[%swap3A, %swap3A_109, %swap3A_110] : memref<1x4x5120xf32, #tpu.memory_space<vmem>>, vector<1x4x5120xf32>
    %swap3A_112 = vector.shape_cast %swap3A_111 : vector<1x4x5120xf32> to vector<4x5120xf32>
    %swap3A_113 = vector.shape_cast %concatenate3A : vector<4x5120xf32> to vector<1x4x5120xf32>
    tpu.vector_store %arg8[%swap3A, %swap3A_109, %swap3A_110], %swap3A_113 {strides = array<i32>} : memref<1x4x5120xf32, #tpu.memory_space<vmem>>, vector<1x4x5120xf32>,
    %select_n3A_114 = arith.select %gt3A_87, %get3A_75, %broadcast_in_dim3A_97 : vector<1x5120xi1>, vector<1x5120xf32>
    %swap3A_115 = arith.constant 0 : index
    %swap3A_116 = arith.constant 0 : index
    %swap3A_117 = arith.constant 0 : index
    %swap3A_118 = vector.load %arg9[%swap3A_115, %swap3A_116, %swap3A_117] : memref<1x1x5120xf32, #tpu.memory_space<vmem>>, vector<1x1x5120xf32>
    %swap3A_119 = vector.shape_cast %swap3A_118 : vector<1x1x5120xf32> to vector<1x5120xf32>
    %swap3A_120 = vector.shape_cast %select_n3A_114 : vector<1x5120xf32> to vector<1x1x5120xf32>
    tpu.vector_store %arg9[%swap3A_115, %swap3A_116, %swap3A_117], %swap3A_120 {strides = array<i32>} : memref<1x1x5120xf32, #tpu.memory_space<vmem>>, vector<1x1x5120xf32>,
    %jit3A_121 = arith.constant -1 : i32
    %broadcast_in_dim3A_122 = vector.broadcast %jit3A_121 : i32 to vector<1x5120xi32>
    %select_n3A_123 = arith.select %gt3A_87, %get3A_80, %broadcast_in_dim3A_122 : vector<1x5120xi1>, vector<1x5120xi32>
    %swap3A_124 = arith.constant 0 : index
    %swap3A_125 = arith.constant 0 : index
    %swap3A_126 = arith.constant 0 : index
    %swap3A_127 = vector.load %arg10[%swap3A_124, %swap3A_125, %swap3A_126] : memref<1x1x5120xi32, #tpu.memory_space<vmem>>, vector<1x1x5120xi32>
    %swap3A_128 = vector.shape_cast %swap3A_127 : vector<1x1x5120xi32> to vector<1x5120xi32>
    %swap3A_129 = vector.shape_cast %select_n3A_123 : vector<1x5120xi32> to vector<1x1x5120xi32>
    tpu.vector_store %arg10[%swap3A_124, %swap3A_125, %swap3A_126], %swap3A_129 {strides = array<i32>} : memref<1x1x5120xi32, #tpu.memory_space<vmem>>, vector<1x1x5120xi32>,
    %convert_element_type3A_130 = arith.extui %gt3A_87 : vector<1x5120xi1> to vector<1x5120xi32>
    %swap3A_131 = arith.constant 0 : index
    %swap3A_132 = arith.constant 0 : index
    %swap3A_133 = arith.constant 0 : index
    %swap3A_134 = vector.load %arg11[%swap3A_131, %swap3A_132, %swap3A_133] : memref<1x1x5120xi32, #tpu.memory_space<vmem>>, vector<1x1x5120xi32>
    %swap3A_135 = vector.shape_cast %swap3A_134 : vector<1x1x5120xi32> to vector<1x5120xi32>
    %swap3A_136 = vector.shape_cast %convert_element_type3A_130 : vector<1x5120xi32> to vector<1x1x5120xi32>
    tpu.vector_store %arg11[%swap3A_131, %swap3A_132, %swap3A_133], %swap3A_136 {strides = array<i32>} : memref<1x1x5120xi32, #tpu.memory_space<vmem>>, vector<1x1x5120xi32>,
    return
  }
  func.func @transform_0(%arg0: i32) -> (i32, i32) {
    %c0_i32 = arith.constant 0 : i32
    %c0_i32_0 = arith.constant 0 : i32
    %c0_i32_1 = arith.constant 0 : i32
    return %c0_i32, %c0_i32_0 : i32, i32
  }
  func.func @transform_1(%arg0: i32) -> (i32, i32) {
    %c0_i32 = arith.constant 0 : i32
    %c0_i32_0 = arith.constant 0 : i32
    %c0_i32_1 = arith.constant 0 : i32
    return %c0_i32, %c0_i32_0 : i32, i32
  }
  func.func @transform_2(%arg0: i32) -> (i32, i32, i32) {
    %c0_i32 = arith.constant 0 : i32
    %c0_i32_0 = arith.constant 0 : i32
    %c0_i32_1 = arith.constant 0 : i32
    return %arg0, %c0_i32, %c0_i32_0 : i32, i32, i32
  }
  func.func @transform_3(%arg0: i32) -> (i32, i32, i32) {
    %c0_i32 = arith.constant 0 : i32
    %c0_i32_0 = arith.constant 0 : i32
    %c0_i32_1 = arith.constant 0 : i32
    return %arg0, %c0_i32, %c0_i32_0 : i32, i32, i32
  }
  func.func @transform_4(%arg0: i32) -> (i32, i32, i32) {
    %c0_i32 = arith.constant 0 : i32
    %c0_i32_0 = arith.constant 0 : i32
    %c0_i32_1 = arith.constant 0 : i32
    return %arg0, %c0_i32, %c0_i32_0 : i32, i32, i32
  }
  func.func @transform_5(%arg0: i32) -> (i32, i32, i32) {
    %c0_i32 = arith.constant 0 : i32
    %c0_i32_0 = arith.constant 0 : i32
    %c0_i32_1 = arith.constant 0 : i32
    %c0_i32_2 = arith.constant 0 : i32
    return %c0_i32, %c0_i32_0, %c0_i32_1 : i32, i32, i32
  }
  func.func @transform_6(%arg0: i32) -> (i32, i32, i32) {
    %c0_i32 = arith.constant 0 : i32
    %c0_i32_0 = arith.constant 0 : i32
    %c0_i32_1 = arith.constant 0 : i32
    return %arg0, %c0_i32, %c0_i32_0 : i32, i32, i32
  }
  func.func @transform_7(%arg0: i32) -> (i32, i32, i32) {
    %c0_i32 = arith.constant 0 : i32
    %c0_i32_0 = arith.constant 0 : i32
    %c0_i32_1 = arith.constant 0 : i32
    return %arg0, %c0_i32, %c0_i32_0 : i32, i32, i32
  }
  func.func @transform_8(%arg0: i32) -> (i32, i32, i32) {
    %c0_i32 = arith.constant 0 : i32
    %c0_i32_0 = arith.constant 0 : i32
    %c0_i32_1 = arith.constant 0 : i32
    return %arg0, %c0_i32, %c0_i32_0 : i32, i32, i32
  }
  func.func @transform_9(%arg0: i32) -> (i32, i32, i32) {
    %c0_i32 = arith.constant 0 : i32
    %c0_i32_0 = arith.constant 0 : i32
    %c0_i32_1 = arith.constant 0 : i32
    return %arg0, %c0_i32, %c0_i32_0 : i32, i32, i32
  }
  func.func @transform_10(%arg0: i32) -> (i32, i32, i32) {
    %c0_i32 = arith.constant 0 : i32
    %c0_i32_0 = arith.constant 0 : i32
    %c0_i32_1 = arith.constant 0 : i32
    return %arg0, %c0_i32, %c0_i32_0 : i32, i32, i32
  }
}

</mosaic_0001>

<sc_bundles>
// kernel: kernel.6.cloned.1.call-start
scs
__scs_entry_jumppad:
0x0: {  	(pc) =	sbr.rel $0x88, $3  }
0x1: {  	(tag) =	ssettag $0x0;
	lr =	simm.s32 $0x1  }
0x2: {  	[smem:$0x3F9A] =	sst lr;
	_ =	strace $0xD0000000  }
0x3: {  	_ = 	snop  }
0x4: {  	_ = 	snop  }
0x5: {  	_ = 	snop  }
0x6: {  	_ = 	snop  }
0x7: {  	_ = 	snop  }
__scs_overlays_trampoline_lowered:
0x8: {  	[smem:$0x3FA9] =	sst s0  }
0x9: {  	[smem:$0x3FAA] =	sst s1  }
0xa: {  	[smem:$0x3FAB] =	sst s2  }
0xb: {  	[smem:$0x3FAC] =	sst s3  }
0xc: {  	[smem:$0x3FAD] =	sst s4  }
0xd: {  	[smem:$0x3FAE] =	sst s5  }
0xe: {  	[smem:$0x3FAF] =	sst s6  }
0xf: {  	[smem:$0x3FB0] =	sst s7  }
0x10: {  	[smem:$0x3FB1] =	sst s8  }
0x11: {  	[smem:$0x3FB2] =	sst s9;
	s0 =	simm.s32 @!p0 $0x0  }
0x12: {  	s1 =	sld [smem:$0x3F98];
	s0 =	simm.s32 @p0 $0x1  }
0x13: {  	[smem:$0x3FB3] =	sst s0;
	s0 =	simm.s32 @!p1 $0x0  }
0x14: {  	s2 =	sld [smem:$0x3F97];
	s0 =	simm.s32 @p1 $0x1  }
0x15: {  	[smem:$0x3FB4] =	sst s0;
	s0 =	simm.s32 @!p2 $0x0  }
0x16: {  	s3 =	sld [smem:$0x3FDB];
	s0 =	simm.s32 @p2 $0x1  }
0x17: {  	s4 =	simm.s32 $0x1BF5;
	[smem:$0x3FB6] =	sst s0  }
0x18: {  	s0 =	sld [smem:$0x3F99];
	_ =	swait.ge [sflag:s4], $0x0  }
0x19: {  	s7 =	sld [smem:$0x3F9A]  }
0x1a: {  	s8 =	sadd.s32 $0xFFFFE003, lr  }
0x1b: {  	s9 =	sadd.s32 $0xFFFFFEF7, lr;
	s5 =	simm.s32 $0xFFFFFFFF;
	p2 =	slt.u32 s8, $0xFFFFF086  }
0x1c: {  	p1 =	slt.u32 s9, $0xF7A;
	s5 =	simm.s32 @!p2 $0x0  }
0x1d: {  	s5 =	simm.s32 @p1 $0x1;
	p0 =	seq.s32 s7, s2  }
0x1e: {  	s7 =	smul.u32 @!p0 $0xF7A, s2;
	p2 =	seq.s32 @!p0 s5, $0x0  }
0x1f: {  	s9 =	smul.u32 $0xF7A, s1;
	s8 =	simm.s32 @!p0 $0x1BF5;
	p2 =	por !p2, p0  }
0x20: {  	[sflag:s8] =	ssyncset.s32 @!p0 $0xFFFFF086;
	s6 =	sadd.s32 @!p0 s3, s7;
	s7 =	simm.s32 @!p0 $0x108  }
0x21: {  	s3 =	sadd.s32 s3, s9;
	s6 =	sadd.s32 @!p0 $0x88, s6;
	s7 =	simm.s32 @p2 $0x1082  }
0x22: {  	[simem:s7], [sflag:s8] =	dma.local @!p0 [hbm:s6], $0xF7A  }
0x23: {  	s9 =	sor.u32 $0xD0000000, s2;
	s6 =	simm.s32 $0x108;
	_ =	swait.ge @!p0 [sflag:s8], $0x0  }
0x24: {  	s3 =	sadd.s32 $0x88, s3;
	s6 =	simm.s32 @!p1 $0x1082;
	[sflag:s4] =	ssyncset.s32 $0xFFFFF086  }
0x25: {  	[simem:s6], [sflag:s4] =	dma.local [hbm:s3], $0xF7A  }
0x26: {  	[smem:$0x3F9A] =	sst s1;
	(tag) =	ssettag s2;
	_ =	strace s9  }
0x27: {  	s1 =	sld [smem:$0x3FAA]  }
0x28: {  	s2 =	sld [smem:$0x3FAB]  }
0x29: {  	s4 =	sld [smem:$0x3FAD]  }
0x2a: {  	p0 =	seq.s32 s5, $0x0;
	s5 =	sld [smem:$0x3FAE]  }
0x2b: {  	s6 =	sld [smem:$0x3FAF]  }
0x2c: {  	s7 =	sld [smem:$0x3FB0]  }
0x2d: {  	s3 =	simm.s32 $0x108;
	s8 =	sld [smem:$0x3FB1]  }
0x2e: {  	s3 =	simm.s32 @!p0 $0x1082;
	s9 =	sld [smem:$0x3FB2]  }
0x2f: {  	lr =	sadd.s32 s0, s3;
	s0 =	sld [smem:$0x3FA9]  }
0x30: {  	s3 =	sld [smem:$0x3FAC]  }
0x31: {  	[smem:$0x3FB5] =	sst s10  }
0x32: {  	s10 =	sld [smem:$0x3FB3];
	_ =	sdelay $0x3  }
0x33: {  	p0 =	seq.s32 s10, $0x1;
	s10 =	sld [smem:$0x3FB5];
	_ =	sdelay $0x3  }
0x34: {  	[smem:$0x3FB5] =	sst s10  }
0x35: {  	s10 =	sld [smem:$0x3FB4];
	_ =	sdelay $0x3  }
0x36: {  	p1 =	seq.s32 s10, $0x1;
	s10 =	sld [smem:$0x3FB5];
	_ =	sdelay $0x3  }
0x37: {  	[smem:$0x3FB5] =	sst s10  }
0x38: {  	s10 =	sld [smem:$0x3FB6]  }
0x39: {  	_ = 	snop;
	(pc) =	sbr.ind lr, $3  }
0x3a: {  	_ = 	snop  }
0x3b: {  	_ = 	snop  }
0x3c: {  	p2 =	seq.s32 s10, $0x1;
	s10 =	sld [smem:$0x3FB5]  }
0x3d: {  	_ =	shalt  }
0x3e: {  	_ =	shalt  }
0x3f: {  	_ =	shalt  }
0x40: {  	_ =	shalt  }
0x41: {  	_ =	shalt  }
0x42: {  	_ =	shalt  }
0x43: {  	_ =	shalt  }
0x44: {  	_ =	shalt  }
0x45: {  	_ =	shalt  }
0x46: {  	_ =	shalt  }
0x47: {  	_ =	shalt  }
0x48: {  	_ =	shalt  }
0x49: {  	_ =	shalt  }
0x4a: {  	_ =	shalt  }
0x4b: {  	_ =	shalt  }
0x4c: {  	_ =	shalt  }
0x4d: {  	_ =	shalt  }
0x4e: {  	_ =	shalt  }
0x4f: {  	_ =	shalt  }
0x50: {  	_ =	shalt  }
0x51: {  	_ =	shalt  }
0x52: {  	_ =	shalt  }
0x53: {  	_ =	shalt  }
0x54: {  	_ =	shalt  }
0x55: {  	_ =	shalt  }
0x56: {  	_ =	shalt  }
0x57: {  	_ =	shalt  }
0x58: {  	_ =	shalt  }
0x59: {  	_ =	shalt  }
0x5a: {  	_ =	shalt  }
0x5b: {  	_ =	shalt  }
0x5c: {  	_ =	shalt  }
0x5d: {  	_ =	shalt  }
0x5e: {  	_ =	shalt  }
0x5f: {  	_ =	shalt  }
0x60: {  	_ =	shalt  }
0x61: {  	_ =	shalt  }
0x62: {  	_ =	shalt  }
0x63: {  	_ =	shalt  }
0x64: {  	_ =	shalt  }
0x65: {  	_ =	shalt  }
0x66: {  	_ =	shalt  }
0x67: {  	_ =	shalt  }
0x68: {  	_ =	shalt  }
0x69: {  	_ =	shalt  }
0x6a: {  	_ =	shalt  }
0x6b: {  	_ =	shalt  }
0x6c: {  	_ =	shalt  }
0x6d: {  	_ =	shalt  }
0x6e: {  	_ =	shalt  }
0x6f: {  	_ =	shalt  }
0x70: {  	_ =	shalt  }
0x71: {  	_ =	shalt  }
0x72: {  	_ =	shalt  }
0x73: {  	_ =	shalt  }
0x74: {  	_ =	shalt  }
0x75: {  	_ =	shalt  }
0x76: {  	_ =	shalt  }
0x77: {  	_ =	shalt  }
0x78: {  	_ =	shalt  }
0x79: {  	_ =	shalt  }
0x7a: {  	_ =	shalt  }
0x7b: {  	_ =	shalt  }
0x7c: {  	_ =	shalt  }
0x7d: {  	_ =	shalt  }
0x7e: {  	_ =	shalt  }
0x7f: {  	_ =	shalt  }
0x80: {  	_ =	shalt  }
0x81: {  	_ =	shalt  }
0x82: {  	_ =	shalt  }
0x83: {  	_ =	shalt  }
0x84: {  	_ =	shalt  }
0x85: {  	_ =	shalt  }
0x86: {  	_ =	shalt  }
0x87: {  	_ =	shalt  }
.Lfunc_end0:
.L_simem_size_0:
called_computation_lowered:
.L_overlay_start_0:
0x88: {  	s2 =	sld [smem:$0x3FD9]  }
0x89: {  	s3 =	sld [smem:$0x3FFE];
	_ =	sdelay $0x1  }
0x8a: {  	s1 =	srdreg.scid  }
0x8b: {  	s0 =	sand.u32 $0x1, s1  }
0x8c: {  	s14 =	sshll.u32 s0, $0xA;
	s2 =	sadd.s32 s3, s2  }
0x8d: {  	s2 =	sadd.s32 s2, s14  }
0x8e: {  	[smem:$0x3FC1] =	sst s2  }
0x8f: {  	_ = 	snop  }
0x90: {  	s2 =	sld [smem:$0x3FD0];
	_ =	sdelay $0x2  }
0x91: {  	s15 =	simm.s32 $0xA;
	s4 =	simm.s32 $0x10  }
0x92: {  	[smem:s4], [sflag:s15] =	dma.local [hbm:s2], $0x1  }
0x93: {  	_ =	swait.eq [sflag:s15], $0x1  }
0x94: {  	[sflag:s15] =	ssyncset.done $0x0  }
0x95: {  	s16 =	sld [smem:$0x11];
	[sflag:s15] =	ssyncadd.s32 $0xFFFFFFFF  }
0x96: {  	s17 =	sld [smem:$0x12];
	(tm) =	ssettm $0x1  }
0x97: {  	s18 =	sld [smem:$0x3FFB];
	_ =	sdelay $0x3  }
0x98: {  	_ =	strace s18  }
0x99: {  	s4 =	sld [smem:$0x3FFC];
	_ =	sdelay $0x3  }
0x9a: {  	_ =	strace s4  }
0x9b: {  	s4 =	sld [smem:$0x3FFD];
	_ =	sdelay $0x3  }
0x9c: {  	_ =	strace s4  }
0x9d: {  	_ =	strace $0x8FFFFFFF  }
0x9e: {  	s19 =	sld [smem:$0x3FDB];
	_ =	sdelay $0x1  }
0x9f: {  	s5 =	simm.s32 $_scs_section_size  }
0xa0: {  	s6 =	simm.s32 $_size__tile_overlayer_lowered;
	s7 =	simm.s32 $_tile_overlayer_lowered  }
0xa1: {  	s22 =	simm.s32 $0x1BFF;
	s21 =	sshll.u32 s7, $0x1;
	s4 =	sadd.s32 s5, s19  }
0xa2: {  	s8 =	simm.s32 $0x0;
	s20 =	sshll.u32 s6, $0x1;
	s6 =	sadd.s32 s21, s4  }
0xa3: {  	[timem:s8], [sflag:s22] =	dma.local [hbm:s6], s20  }
0xa4: {  	_ =	swait.ge [sflag:s22], s20  }
0xa5: {  	s5 =	ssub.s32 $0x0, s20;
	[sflag:s22] =	ssyncset.done $0x0  }
0xa6: {  	[sflag:s22] =	ssyncadd.s32 s5;
	_ =	sdelay $0x1  }
0xa7: {  	s23 =	simm.s32 $0x1B8B  }
0xa8: {  	_ =	swait.ge [sflag:s23], $0x1  }
0xa9: {  	[sflag:s23] =	ssyncset.done $0x0  }
0xaa: {  	s25 =	simm.s32 $0x1B8E;
	s24 =	sld [smem:$0x3FFE];
	[sflag:s23] =	ssyncadd.s32 $0xFFFFFFFF  }
0xab: {  	s26 =	simm.s32 $execute0_lowered;
	[smem:$0x3FD2] =	sst s25  }
0xac: {  	s6 =	sshll.u32 s26, $0x1;
	_ =	strace $0x80000046;
	[dreg:$0x1] =	wrdreg $0xFFFFFFFF  }
0xad: {  	s28 =	simm.s32 $_size_execute0_lowered;
	s4 =	sadd.s32 s4, s6;
	[dreg:$0x0] =	wrdreg $0x0  }
0xae: {  	s6 =	sshll.u32 s28, $0x1;
	[dreg:$0x2] =	wrdreg s4  }
0xaf: {  	[dreg:$0x3] =	wrdreg s6  }
0xb0: {  	[dreg:$0x4] =	wrdreg $0xC0  }
0xb1: {  	_ =	task [dreg:s8], $0x5FFFF  }
0xb2: {  	[dreg:$0x1] =	wrdreg $0xFFFFFFFF  }
0xb3: {  	[dreg:$0x0] =	wrdreg $0x60  }
0xb4: {  	[dreg:$0x2] =	wrdreg s24  }
0xb5: {  	[dreg:$0x3] =	wrdreg s16  }
0xb6: {  	[dreg:$0x4] =	wrdreg s17  }
0xb7: {  	[dreg:$0x5] =	wrdreg $0x12C800  }
0xb8: {  	[dreg:$0x6] =	wrdreg $0x9  }
0xb9: {  	_ =	task.clear_ibuf [dreg:s8], $0x7FFFF;
	_ =	strace $0x90000046  }
0xba: {  	s29 =	simm.s32 $0x9;
	_ =	strace $0x80000048  }
0xbb: {  	_ =	swait.ge [sflag:s29], $0x1  }
0xbc: {  	[sflag:s29] =	ssyncadd.s32 $0xFFFFFFFF  }
0xbd: {  	_ =	strace $0x90000048  }
0xbe: {  	_ =	sfence  }
0xbf: {  	s30 =	sld [smem:$0x0];
	_ =	sdelay $0x2  }
0xc0: {  	s31 =	sshll.u32 s1, $0xD;
	s1 =	sshrl.u32 s1, $0x2  }
0xc1: {  	s3 =	sand.u32 $0x4000, s31;
	s1 =	sadd.s32 s1, s30  }
0xc2: {  	s0 =	sor.u32 s3, s0;
	s1 =	sshll.u32 s1, $0x11  }
0xc3: {  	s0 =	sor.u32 s1, s0  }
0xc4: {  	s0 =	sadd.s32 $0x8F2B, s0  }
0xc5: {  	[sflag:s0] =	ssyncadd.remote.s32 $0x1  }
0xc6: {  	_ =	sfence.sel $0xFFFF  }
0xc7: {  	[dreg:$0x0] =	wrdreg $0xFFFFFFFF;
	(pc) =	sbr.abs _section_cstart, $3  }
0xc8: {  	[dreg:$0x1] =	wrdreg $0xFFFFFFFF  }
0xc9: {  	_ =	task.clear_ibuf [dreg:s8], $0x2FFFF;
	_ =	strace $0x9FFFFFFF  }
0xca: {  	(tm) =	ssettm $0x7FFFFFFF  }
0xcb: {  	_ =	shalt  }
tec
execute0_lowered:
.L_overlay_start_1:
0x0: {  	(tag) =	ssettag $0x1  }
0x1: {  	s0 =	rddreg [dreg:$0x0];
	s1 =	srdreg.scid  }
0x2: {  	s7 =	stileid.u32;
	s2 =	rddreg [dreg:$0x2];
	s1 =	sand.u32 $0x1, s1  }
0x3: {  	s5 =	rddreg [dreg:$0x3];
	s3 =	sshrl.u32 s7, $0x3;
	s4 =	sshll.u32 s1, $0x1  }
0x4: {  	s8 =	simm.s32 $0x0;
	s31 =	simm.s32 $0xDC00;
	s6 =	sor.u32 s3, s4  }
0x5: {  	s12 =	simm.s32 $0x0;
	s13 =	simm.s32 $0x0;
	s4 =	smul.u32 $0x1400, s6  }
0x6: {  	[smem:$0x7FF] =	sst s8;
	s10 =	sshll.u32 s7, $0x7;
	s1 =	ssub.s32 $0x2, s1  }
0x7: {  	_ =	strace $0x80000047;
	s11 =	sand.u32 $0x380, s10;
	s0 =	sadd.s32 s4, s0  }
0x8: {  	s18 =	sshrl.u32 s1, $0x1;
	s3 =	smul.u32 $0x28000, s3;
	s19 =	sadd.s32 $0x1200, s0  }
0x9: {  	s1 =	ssub.s32 s1, s18;
	s20 =	sadd.s32 $0x1210, s0;
	[dreg:$0x5] =	wrdreg s19  }
0xa: {  	s3 =	sshrl.u32 s3, $0x2;
	s21 =	sadd.s32 $0x1220, s0;
	[dreg:$0x6] =	wrdreg s20  }
0xb: {  	s3 =	sadd.s32 s3, s5;
	s22 =	sadd.s32 $0x1230, s0;
	[dreg:$0x7] =	wrdreg s21  }
0xc: {  	s30 =	sshll.u32 s6, $0x4;
	s23 =	sadd.s32 $0x80, s3;
	[dreg:$0x8] =	wrdreg s22  }
0xd: {  	s4 =	sand.u32 $0x7, s7;
	s24 =	sadd.s32 $0x100, s3;
	[dreg:$0x9] =	wrdreg s23  }
0xe: {  	s9 =	sadd.s32 $0x1240, s0;
	s25 =	sadd.s32 $0x180, s3;
	[dreg:$0xa] =	wrdreg s24  }
0xf: {  	s10 =	sadd.s32 $0x1250, s0;
	s26 =	sadd.s32 $0x200, s3;
	[dreg:$0xb] =	wrdreg s25  }
0x10: {  	s11 =	sadd.s32 s11, s3;
	s28 =	sadd.s32 $0x280, s3;
	[dreg:$0xc] =	wrdreg s26  }
.Ltmp0:
0x11: {  	s29 =	sadd.s32 $0x300, s3;
	[dreg:$0xd] =	wrdreg s28;
	(pc) =	sbr.rel .LBB2_1-.Ltmp0, $4  }
0x12: {  	s3 =	sadd.s32 $0x380, s3;
	s0 =	sadd.s32 s2, s30;
	[dreg:$0xe] =	wrdreg s29  }
0x13: {  	p0 =	sne.s32 s4, $0x0;
	s2 =	simm.s32 $0x10400;
	[dreg:$0xf] =	wrdreg s3  }
0x14: {  	v0 =	vimm.s32 $0x0;
	[dreg:$0x10] =	wrdreg s0;
	s20 =	smax.u32 s1, $0x1;
	s22 =	simm.s32 $0x1  }
0x15: {  	v1 =	vlaneseq.u32;
	v2 =	vimm.f32 $0.0e+00;
	v3 =	vimm.s32 $0x1;
	s23 =	simm.s32 $0x80;
	s24 =	simm.s32 $0x400;
	s0 =	simm.s32 $0x11800  }
.LBB2_21:
0x16: {  	[spmem:s11] =	stream.strided.scatter [tilespmem:s2], [sflag:$0x1], $0x1400, s24, s23, $0x38;
	[tilespmem:$0x14080] =	vst v63  }
.Ltmp1:
0x17: {  	_ =	swait.ge [sflag:s22], $0x1400;
	(pc) =	sbr.rel @!p0 .LBB2_22-.Ltmp1, $3  }
0x18: {  	[sflag:s22] =	ssyncset.done $0x0  }
0x19: {  	[sflag:s22] =	ssyncadd.s32 $0xFFFFEC00  }
0x1a: {  	[bflag:$0x0] =	sbarrier.arrive $0xFFFF;
	_ =	sdelay $0x1  }
.LBB2_37:
0x1b: {  	s12 =	sadd.s32 $0x1, s12  }
0x1c: {  	p1 =	sne.s32 s12, s20  }
.Ltmp2:
0x1d: {  	_ = 	snop;
	(pc) =	sbr.rel @!p1 .LBB2_38-.Ltmp2, $1  }
0x1e: {  	_ =	sdelay $0x3  }
.LBB2_1:
0x1f: {  	s1 =	rddreg [dreg:$0x1];
	s3 =	simm.s32 $0x0;
	s5 =	simm.s32 $0x12C00  }
0x20: {  	[tilespmem:s5], [sflag:$0x1] =	stream.linear.gather [hbm4b:s1+s3], $0x80, $0x38;
	[tilespmem:$0x14080] =	vst v63  }
0x21: {  	_ =	swait.ge [sflag:s22], $0x80  }
0x22: {  	[sflag:s22] =	ssyncset.done $0x0  }
0x23: {  	s17 =	rddreg [dreg:$0x5];
	[sflag:s22] =	ssyncadd.s32 $0xFFFFFF80  }
0x24: {  	[tilespmem:s3], [sflag:$0x1] =	stream.strided.gather [hbm4b:s17+s23], $0x1400, s24, s23, $0x38;
	[tilespmem:$0x14080] =	vst v63  }
0x25: {  	_ =	swait.ge [sflag:s22], $0x1400  }
0x26: {  	[sflag:s22] =	ssyncset.done $0x0  }
0x27: {  	s19 =	simm.s32 $0x1400;
	s18 =	rddreg [dreg:$0x6];
	[sflag:s22] =	ssyncadd.s32 $0xFFFFEC00  }
0x28: {  	[tilespmem:s19], [sflag:$0x1] =	stream.strided.gather [hbm4b:s18+s23], $0x1400, s24, s23, $0x38;
	[tilespmem:$0x14080] =	vst v63  }
0x29: {  	_ =	swait.ge [sflag:s22], $0x1400  }
0x2a: {  	[sflag:s22] =	ssyncset.done $0x0  }
0x2b: {  	s25 =	simm.s32 $0x2800;
	s21 =	rddreg [dreg:$0x7];
	[sflag:s22] =	ssyncadd.s32 $0xFFFFEC00  }
0x2c: {  	[tilespmem:s25], [sflag:$0x1] =	stream.strided.gather [hbm4b:s21+s23], $0x1400, s24, s23, $0x38;
	[tilespmem:$0x14080] =	vst v63  }
0x2d: {  	_ =	swait.ge [sflag:s22], $0x1400  }
0x2e: {  	[sflag:s22] =	ssyncset.done $0x0  }
0x2f: {  	s28 =	simm.s32 $0x3C00;
	s26 =	rddreg [dreg:$0x8];
	[sflag:s22] =	ssyncadd.s32 $0xFFFFEC00  }
0x30: {  	[tilespmem:s28], [sflag:$0x1] =	stream.strided.gather [hbm4b:s26+s23], $0x1400, s24, s23, $0x38;
	[tilespmem:$0x14080] =	vst v63  }
0x31: {  	_ =	swait.ge [sflag:s22], $0x1400  }
0x32: {  	[sflag:s22] =	ssyncset.done $0x0  }
0x33: {  	s29 =	simm.s32 $0x5000;
	[sflag:s22] =	ssyncadd.s32 $0xFFFFEC00  }
0x34: {  	[tilespmem:s29], [sflag:$0x1] =	stream.strided.gather [hbm4b:s9+s23], $0x1400, s24, s23, $0x38;
	[tilespmem:$0x14080] =	vst v63  }
0x35: {  	_ =	swait.ge [sflag:s22], $0x1400  }
0x36: {  	[sflag:s22] =	ssyncset.done $0x0  }
0x37: {  	s30 =	simm.s32 $0x6400;
	[sflag:s22] =	ssyncadd.s32 $0xFFFFEC00  }
0x38: {  	[tilespmem:s30], [sflag:$0x1] =	stream.strided.gather [hbm4b:s10+s23], $0x1400, s24, s23, $0x38;
	[tilespmem:$0x14080] =	vst v63  }
0x39: {  	_ =	swait.ge [sflag:s22], $0x1400  }
0x3a: {  	[sflag:s22] =	ssyncset.done $0x0  }
0x3b: {  	[sflag:s22] =	ssyncadd.s32 $0xFFFFEC00  }
0x3c: {  	s1 =	simm.s32 $0x40;
	s3 =	simm.s32 $0x0;
	v4 =	vld [tilespmem:$0x12C00]  }
.LBB2_2:
0x3d: {  	p1 =	sne.s32 s1, $0x4FC0;
	[tilespmem:s3+$0x10400] =	vst v0;
	s3 =	smov.u32 s1;
	s1 =	sadd.s32 $0x40, s1  }
.Ltmp3:
0x3e: {  	(pc) =	sbr.rel @p1 .LBB2_2-.Ltmp3, $2  }
0x3f: {  	_ =	sdelay $0x2  }
0x40: {  	s3 =	sshra.s32 s3, $0x2  }
.Ltmp4:
0x41: {  	(pc) =	sbr.rel .LBB2_4-.Ltmp4, $2  }
0x42: {  	_ =	sdelay $0x2  }
0x43: {  	[tilespmem:s3+$0x10400] =	vst v0;
	s14 =	simm.s32 $0x0  }
.LBB2_20:
0x44: {  	s14 =	sadd.s32 $0x1, s14  }
0x45: {  	p1 =	sne.s32 s14, $0xA  }
.Ltmp5:
0x46: {  	_ = 	snop;
	(pc) =	sbr.rel @!p1 .LBB2_21-.Ltmp5, $1  }
0x47: {  	_ =	sdelay $0x3  }
.LBB2_4:
0x48: {  	s15 =	simm.s32 $0x6400  }
0x49: {  	s1 =	sshll.u32 s14, $0x3;
	v6 =	vld [tilespmem:s15+$0x0]  }
0x4a: {  	s1 =	sor.u32 s4, s1  }
0x4b: {  	s1 =	scvt.s32.f32 s1;
	_ =	sdelay $0x1  }
0x4c: {  	v5 =	vmov s1  }
0x4d: {  	vm0 =	veq.f32 v6, v5  }
0x4e: {  	v7 =	vmpcnt.ones.xlane vm0;
	_ =	sdelay $0x1  }
0x4f: {  	v7 =	vxor.u32 $0x80000000, v7  }
0x50: {  	(xrf0) =	vmax.scan.msk.u32 $0xffff, v7;
	_ =	sdelay $0x5  }
0x51: {  	v7, _, _ =	vpop (xrf0)  }
0x52: {  	(v2sf) =	vpush v7, $0xF;
	_ =	sdelay $0xe  }
0x53: {  	s30 =	spop (v2sf)  }
0x54: {  	s1 =	sxor.u32 $0x80000000, s30  }
0x55: {  	p1 =	slt.s32 s1, $0x1  }
0x56: {  	vm0 =	veq.f32 @!p1 v6, v5;
	v6 =	vimm.s32 @!p1 $0x0  }
0x57: {  	v6 =	vsel @!p1 vm0, $0x1, v6  }
0x58: {  	(xrf0) =	vadd.scan.msk.s32 @!p1 $0xffff, v6;
	_ =	sdelay $0x2  }
0x59: {  	v6 =	vmov @!p1 s13  }
0x5a: {  	v6 =	vadd.s32 @!p1 $0xFFFFFFFF, v6  }
0x5b: {  	v6 =	vbroadcast @!p1 v6, $0x0  }
0x5c: {  	v7, _, _ =	vpop @!p1 (xrf0)  }
0x5d: {  	v6 =	vadd.s32 @!p1 v7, v6  }
0x5e: {  	v7 =	vld @!p1 [tilespmem:s13+$0x0];
	v6 =	vnsel @!p1 vm0, $0x139F, v6;
	_ =	sdelay $0x3  }
0x5f: {  	s3 =	simm.s32 @!p1 $0x7800  }
0x60: {  	s5 =	simm.s32 $0x1400;
	[tilespmem:v6+s3+$0x0] =	vst.idx.msk @!p1 $0xffff, v7  }
0x61: {  	v7 =	vld @!p1 [tilespmem:s5+$0x0];
	_ =	sdelay $0x3  }
0x62: {  	s3 =	simm.s32 @!p1 $0x8C00  }
0x63: {  	s5 =	simm.s32 $0x2800;
	[tilespmem:v6+s3+$0x0] =	vst.idx.msk @!p1 $0xffff, v7  }
0x64: {  	v7 =	vld @!p1 [tilespmem:s5+$0x0];
	_ =	sdelay $0x3  }
0x65: {  	s3 =	simm.s32 @!p1 $0xA000  }
0x66: {  	s5 =	simm.s32 $0x3C00;
	[tilespmem:v6+s3+$0x0] =	vst.idx.msk @!p1 $0xffff, v7  }
0x67: {  	v7 =	vld @!p1 [tilespmem:s5+$0x0];
	_ =	sdelay $0x3  }
0x68: {  	s3 =	simm.s32 @!p1 $0xB400  }
0x69: {  	s5 =	simm.s32 $0x5000;
	[tilespmem:v6+s3+$0x0] =	vst.idx.msk @!p1 $0xffff, v7  }
0x6a: {  	v8 =	vld @!p1 [tilespmem:s5+$0x0];
	_ =	sdelay $0x2  }
0x6b: {  	s17 =	simm.s32 $0x10;
	s18 =	simm.s32 $0x3C10;
	s19 =	simm.s32 $0x5010  }
0x6c: {  	s21 =	simm.s32 $0x2810;
	s16 =	sadd.s32 $0x0, s1;
	s1 =	simm.s32 @!p1 $0xC800;
	v7 =	vlaneseq.u32 @!p1  }
0x6d: {  	s25 =	simm.s32 $0x0;
	s3 =	simm.s32 @!p1 $0xDC00;
	v7 =	vor.u32 @!p1 s13, v7;
	[tilespmem:v6+s1+$0x0] =	vst.idx.msk @!p1 $0xffff, v8;
	s1 =	simm.s32 $0x1410  }
.LBB2_5:
0x6e: {  	s15 =	sadd.s32 $0x10, s15;
	s25 =	sadd.s32 $0x10, s25  }
0x6f: {  	[tilespmem:v6+s3+$0x0] =	vst.idx.msk @!p1 $0xffff, v7;
	s3 =	smov.u32 s17;
	s17 =	sadd.s32 $0x10, s17;
	s5 =	smov.u32 s16  }
0x70: {  	v6 =	vld [tilespmem:s15+$0x0];
	p2 =	sne.s32 s17, $0x1400;
	_ =	sdelay $0x4  }
0x71: {  	vm0 =	veq.f32 v6, v5  }
0x72: {  	v7 =	vmpcnt.ones.xlane vm0;
	_ =	sdelay $0x1  }
0x73: {  	v7 =	vxor.u32 $0x80000000, v7  }
0x74: {  	(xrf0) =	vmax.scan.msk.u32 $0xffff, v7;
	_ =	sdelay $0x5  }
0x75: {  	v7, _, _ =	vpop (xrf0)  }
0x76: {  	(v2sf) =	vpush v7, $0xF;
	_ =	sdelay $0xe  }
0x77: {  	s6 =	spop (v2sf)  }
0x78: {  	s6 =	sxor.u32 $0x80000000, s6  }
0x79: {  	p1 =	slt.s32 s6, $0x1;
	s16 =	sadd.s32 s16, s6  }
0x7a: {  	vm0 =	veq.f32 @!p1 v6, v5;
	v6 =	vimm.s32 @!p1 $0x0;
	v7 =	vmov @!p1 s5  }
0x7b: {  	v8 =	vlaneseq.u32 @!p1;
	v6 =	vsel @!p1 vm0, $0x1, v6;
	v7 =	vadd.s32 @!p1 $0xFFFFFFFF, v7  }
0x7c: {  	v9 =	vbroadcast @!p1 v7, $0x0;
	v7 =	vor.u32 @!p1 s3, v8;
	(xrf0) =	vadd.scan.msk.s32 @!p1 $0xffff, v6;
	_ =	sdelay $0x5  }
0x7d: {  	v6, _, _ =	vpop @!p1 (xrf0)  }
0x7e: {  	v6 =	vadd.s32 @!p1 v6, v9  }
0x7f: {  	v6 =	vnsel @!p1 vm0, $0x139F, v6;
	v8 =	vld @!p1 [tilespmem:s25+$0x0];
	_ =	sdelay $0x3  }
0x80: {  	s3 =	simm.s32 @!p1 $0x7800  }
0x81: {  	[tilespmem:v6+s3+$0x0] =	vst.idx.msk @!p1 $0xffff, v8  }
0x82: {  	v8 =	vld @!p1 [tilespmem:s1+$0x0];
	_ =	sdelay $0x3  }
0x83: {  	s3 =	simm.s32 @!p1 $0x8C00  }
0x84: {  	[tilespmem:v6+s3+$0x0] =	vst.idx.msk @!p1 $0xffff, v8  }
0x85: {  	v8 =	vld @!p1 [tilespmem:s21+$0x0];
	_ =	sdelay $0x3  }
0x86: {  	s3 =	simm.s32 @!p1 $0xA000  }
0x87: {  	[tilespmem:v6+s3+$0x0] =	vst.idx.msk @!p1 $0xffff, v8  }
0x88: {  	v8 =	vld @!p1 [tilespmem:s18+$0x0];
	_ =	sdelay $0x3  }
0x89: {  	s3 =	simm.s32 @!p1 $0xB400  }
0x8a: {  	[tilespmem:v6+s3+$0x0] =	vst.idx.msk @!p1 $0xffff, v8  }
0x8b: {  	v8 =	vld @!p1 [tilespmem:s19+$0x0]  }
.Ltmp6:
0x8c: {  	(pc) =	sbr.rel @p2 .LBB2_5-.Ltmp6, $3  }
0x8d: {  	_ =	sdelay $0x1  }
0x8e: {  	s18 =	sadd.s32 $0x10, s18;
	s3 =	simm.s32 @!p1 $0xC800;
	s19 =	sadd.s32 $0x10, s19  }
0x8f: {  	s1 =	sadd.s32 $0x10, s1;
	s21 =	sadd.s32 $0x10, s21;
	[tilespmem:v6+s3+$0x0] =	vst.idx.msk @!p1 $0xffff, v8;
	s3 =	simm.s32 @!p1 $0xDC00  }
0x90: {  	s1 =	sadd.s32 $0xF, s16  }
0x91: {  	s5 =	sand.u32 $0xF, s1  }
0x92: {  	s6 =	sshra.s32 s1, $0x1F;
	p2 =	slt.s32 s1, $0x1;
	p3 =	sne.s32 s5, $0x0  }
0x93: {  	s30 =	sshrl.u32 s6, $0x1C;
	p2 =	por !p2, !p3  }
0x94: {  	s5 =	simm.s32 $0x1;
	s1 =	sadd.s32 s30, s1;
	p2 =	por !p2, !p2  }
0x95: {  	s1 =	sshra.s32 s1, $0x4;
	s5 =	simm.s32 @!p2 $0x0  }
0x96: {  	s15 =	ssub.s32 s1, s5  }
0x97: {  	p2 =	slt.s32 s15, $0x1  }
.Ltmp7:
0x98: {  	_ = 	snop;
	(pc) =	sbr.rel @p2 .LBB2_20-.Ltmp7, $2  }
0x99: {  	_ =	sdelay $0x2  }
0x9a: {  	[tilespmem:v6+s3+$0x0] =	vst.idx.msk @!p1 $0xffff, v7  }
0x9b: {  	s1 =	simm.s32 $0xF000;
	v5 =	vmov s16;
	s16 =	simm.s32 $0x0  }
0x9c: {  	s3 =	simm.s32 $0x0;
	s5 =	simm.s32 $0xF000;
	s6 =	smov.u32 s15  }
.LBB2_8:
0x9d: {  	p1 =	seq.s32 s6, $0x1  }
.Ltmp8:
0x9e: {  	_ = 	snop;
	(pc) =	sbr.rel @!p1 .LBB2_8-.Ltmp8, $4  }
0x9f: {  	v6 =	vor.u32 s3, v1  }
0xa0: {  	vm0 =	vlt.s32 v6, v5  }
0xa1: {  	v6 =	vsel vm0, $0x3F800000, v2  }
0xa2: {  	s3 =	sadd.s32 $0x10, s3;
	s6 =	sadd.s32 $0xFFFFFFFF, s6;
	[tilespmem:s5+$0x0] =	vst v6;
	s5 =	sadd.s32 $0x10, s5  }
0xa3: {  	s3 =	simm.s32 $0xC800;
	v5 =	vld [tilespmem:s1+$0x0]  }
0xa4: {  	p4 =	seq.s32 s15, $0x1;
	v6 =	vld [tilespmem:s3+$0x0]  }
.Ltmp9:
0xa5: {  	_ = 	snop;
	(pc) =	sbr.rel @p4 .LBB2_10-.Ltmp9, $3  }
0xa6: {  	_ =	sdelay $0x1  }
0xa7: {  	s17 =	simm.f32 $-1.000000020e+30;
	s18 =	simm.s32 $0x1;
	s1 =	simm.s32 $0xF010;
	vm0 =	vgt.f32 v5, $5.000000000e-01  }
0xa8: {  	p1 =	por $0x0, $0x0;
	p2 =	por $0x0, $0x0;
	p3 =	por $0x0, $0x0;
	v5 =	vnsel vm0, $0xF149F2CA, v6  }
0xa9: {  	v6 =	vld [tilespmem:s1+$0x0];
	s30 =	simm.s32 $0xC810;
	(xrf0) =	vmax.scan.msk.f32 $0xffff, v5  }
0xaa: {  	p4 =	seq.s32 s15, $0x2;
	v5 =	vld [tilespmem:s30+$0x0]  }
.Ltmp10:
0xab: {  	_ = 	snop;
	(pc) =	sbr.rel @p4 .LBB2_12-.Ltmp10, $3  }
0xac: {  	_ =	sdelay $0x1  }
0xad: {  	vm0 =	vgt.f32 v6, $5.000000000e-01  }
0xae: {  	s1 =	simm.s32 $0x2;
	s3 =	simm.s32 $0xF020;
	p1 =	por $0x1, $0x1;
	v5 =	vnsel vm0, $0xF149F2CA, v5;
	v6, _, _ =	vpop (xrf0)  }
0xaf: {  	(v2sf) =	vpush v6, $0xF;
	_ =	sdelay $0x6  }
0xb0: {  	v7 =	vld [tilespmem:s3+$0x0];
	s30 =	simm.s32 $0xC820;
	(xrf0) =	vmax.scan.msk.f32 $0xffff, v5  }
0xb1: {  	p4 =	seq.s32 s15, $0x3;
	v5 =	vld [tilespmem:s30+$0x0]  }
.Ltmp11:
0xb2: {  	_ = 	snop;
	(pc) =	sbr.rel @p4 .LBB2_14-.Ltmp11, $3  }
0xb3: {  	_ =	sdelay $0x1  }
0xb4: {  	vm0 =	vgt.f32 v7, $5.000000000e-01  }
0xb5: {  	s19 =	simm.s32 $0x3;
	s3 =	simm.s32 $0xF030;
	p2 =	por $0x1, $0x1;
	v5 =	vnsel vm0, $0xF149F2CA, v5;
	v6, _, _ =	vpop (xrf0)  }
0xb6: {  	(v2sf) =	vpush v6, $0xF;
	_ =	sdelay $0x1  }
0xb7: {  	v7 =	vld [tilespmem:s3+$0x0];
	s21 =	simm.s32 $0xC830;
	(xrf0) =	vmax.scan.msk.f32 $0xffff, v5  }
0xb8: {  	p4 =	seq.s32 s15, $0x4;
	v5 =	vld [tilespmem:s21+$0x0]  }
.Ltmp12:
0xb9: {  	_ = 	snop;
	(pc) =	sbr.rel @p4 .LBB2_16-.Ltmp12, $3  }
0xba: {  	_ =	sdelay $0x1  }
0xbb: {  	s25 =	simm.s32 $0x4;
	s26 =	simm.s32 $0xF040;
	p3 =	por $0x1, $0x1;
	vm0 =	vgt.f32 v7, $5.000000000e-01  }
0xbc: {  	s5 =	simm.f32 $-1.000000020e+30;
	s3 =	simm.s32 $0x0;
	s6 =	simm.s32 $0x0;
	v5 =	vnsel vm0, $0xF149F2CA, v5;
	v6, _, _ =	vpop (xrf0)  }
.LBB2_17:
0xbd: {  	v7 =	vld [tilespmem:s26+$0x0];
	s21 =	sadd.s32 $0x10, s21;
	(xrf0) =	vmax.scan.msk.f32 $0xffff, v5;
	(v2sf) =	vpush v6, $0xF;
	s28 =	smov.u32 s25;
	s25 =	sadd.s32 $0x1, s25  }
0xbe: {  	v5 =	vld [tilespmem:s21+$0x0];
	p4 =	seq.s32 s15, s25;
	s29 =	spop (v2sf)  }
.Ltmp13:
0xbf: {  	p5 =	sgt.f32 s29, s5;
	(pc) =	sbr.rel @!p4 .LBB2_17-.Ltmp13, $4  }
0xc0: {  	_ = 	snop  }
0xc1: {  	s5 =	smov.u32 @p5 s29;
	s6 =	smov.u32 @p5 s3;
	s3 =	smov.u32 s18  }
0xc2: {  	s18 =	smov.u32 s1;
	s1 =	smov.u32 s19;
	s19 =	smov.u32 s28;
	vm0 =	vgt.f32 v7, $5.000000000e-01  }
0xc3: {  	s26 =	sadd.s32 $0x10, s26;
	v5 =	vnsel vm0, $0xF149F2CA, v5;
	v6, _, _ =	vpop (xrf0)  }
0xc4: {  	s21 =	smov.u32 s18;
	s18 =	smov.u32 s19  }
.LBB2_19:
0xc5: {  	(xrf0) =	vmax.scan.msk.f32 $0xffff, v5;
	_ =	sdelay $0x1  }
0xc6: {  	(v2sf) =	vpush @p1 v6, $0xF;
	_ =	sdelay $0x3  }
0xc7: {  	v5, _, _ =	vpop (xrf0)  }
0xc8: {  	s19 =	spop @p3 (v2sf);
	(v2sf) =	vpush v5, $0xF  }
0xc9: {  	p4 =	sgt.f32 @p3 s19, s5;
	_ =	sdelay $0x1  }
0xca: {  	p5 =	por !p4, !p3  }
0xcb: {  	s19 =	smov.u32 @p5 s5;
	s5 =	simm.f32 $-1.000000020e+30  }
0xcc: {  	s5 =	smov.u32 @p3 s19;
	s19 =	spop @p2 (v2sf)  }
0xcd: {  	p4 =	sgt.f32 @p2 s19, s5;
	_ =	sdelay $0x1  }
0xce: {  	p4 =	por !p4, !p2  }
0xcf: {  	s3 =	smov.u32 @p5 s6;
	s19 =	smov.u32 @p4 s5;
	s5 =	simm.f32 $-1.000000020e+30  }
0xd0: {  	s6 =	smov.u32 s16;
	s5 =	smov.u32 @p2 s19;
	s19 =	spop @p1 (v2sf)  }
0xd1: {  	s6 =	smov.u32 @p1 s1;
	s1 =	smov.u32 s16;
	p5 =	sgt.f32 @p1 s19, s5  }
0xd2: {  	s1 =	smov.u32 @p3 s3;
	s3 =	smov.u32 @p2 s21  }
0xd3: {  	s3 =	smov.u32 @p4 s1;
	p3 =	por !p5, !p1  }
0xd4: {  	s1 =	smov.u32 @p1 s6;
	s6 =	smov.u32 s16;
	s19 =	smov.u32 @p3 s5  }
0xd5: {  	s6 =	smov.u32 @p2 s3;
	s17 =	smov.u32 @p1 s19;
	s3 =	spop (v2sf)  }
0xd6: {  	p2 =	sgt.f32 s3, s17;
	_ =	sdelay $0x1  }
0xd7: {  	s1 =	smov.u32 @p3 s6;
	s17 =	smov.u32 @p2 s3  }
0xd8: {  	s16 =	smov.u32 @p1 s1;
	p1 =	sgt.f32 s17, $-1.000000020e+29  }
.Ltmp14:
0xd9: {  	_ = 	snop;
	(pc) =	sbr.rel @!p1 .LBB2_20-.Ltmp14, $2  }
0xda: {  	_ =	sdelay $0x2  }
0xdb: {  	s16 =	smov.u32 @p2 s18  }
.LBB2_40:
0xdc: {  	s1 =	sshll.u32 s16, $0x4  }
0xdd: {  	v5 =	vld [tilespmem:s1+$0xC800]  }
0xde: {  	v6 =	vld [tilespmem:s1+$0xF000];
	_ =	sdelay $0x4  }
0xdf: {  	vm0 =	veq.f32 v5, s17;
	vm1 =	vgt.f32 v6, $5.000000000e-01  }
0xe0: {  	vm0 =	vmand vm0, vm1  }
0xe1: {  	v5 =	vmctz.xlane vm0;
	_ =	sdelay $0x1  }
0xe2: {  	v5 =	vxor.u32 $0x80000000, v5  }
0xe3: {  	(xrf0) =	vmax.scan.msk.u32 $0xffff, v5;
	_ =	sdelay $0x5  }
0xe4: {  	v5, _, _ =	vpop (xrf0)  }
0xe5: {  	(v2sf) =	vpush v5, $0xF;
	_ =	sdelay $0xe  }
0xe6: {  	s3 =	spop (v2sf)  }
0xe7: {  	s1 =	sadd.s32 s3, s1  }
0xe8: {  	s1 =	sadd.s32 $0x80000000, s1  }
0xe9: {  	v8 =	vmov s1;
	_ =	sdelay $0x4  }
0xea: {  	v5 =	vld.idx.msk [tilespmem:v8+s31+$0x0], $0xffff;
	_ =	sdelay $0x4  }
0xeb: {  	v5 =	vxor.u32 $0x80000000, v5  }
0xec: {  	(xrf0) =	vmax.scan.msk.u32 $0xffff, v5;
	_ =	sdelay $0x5  }
0xed: {  	v5, _, _ =	vpop (xrf0)  }
0xee: {  	(v2sf) =	vpush v5, $0xF;
	_ =	sdelay $0xe  }
0xef: {  	s26 =	spop (v2sf)  }
0xf0: {  	s1 =	sxor.u32 $0x80000000, s26  }
0xf1: {  	v5 =	vmov s1;
	_ =	sdelay $0x4  }
0xf2: {  	s28 =	simm.s32 $0x7800;
	[tilespmem:v5+s2+$0x0] =	vst.idx.msk $0xffff, v3  }
0xf3: {  	s29 =	simm.s32 $0x8C00;
	v5 =	vld.idx.msk [tilespmem:v8+s28+$0x0], $0xffff  }
0xf4: {  	s5 =	simm.s32 $0xA000;
	v6 =	vld.idx.msk [tilespmem:v8+s29+$0x0], $0xffff  }
0xf5: {  	s6 =	simm.s32 $0xB400;
	v7 =	vld.idx.msk [tilespmem:v8+s5+$0x0], $0xffff  }
0xf6: {  	v8 =	vld.idx.msk [tilespmem:v8+s6+$0x0], $0xffff  }
0xf7: {  	v9 =	vld [tilespmem:s28+$0x0]  }
0xf8: {  	v10 =	vld [tilespmem:s5+$0x0]  }
0xf9: {  	v11 =	vld [tilespmem:s29+$0x0]  }
0xfa: {  	v12 =	vld [tilespmem:s6+$0x0];
	_ =	sdelay $0x2  }
0xfb: {  	v13 =	vsub.f32 v7, v5;
	v14 =	vsub.f32 v8, v6  }
0xfc: {  	v15 =	vmax.f32 v5, v9;
	v9 =	vsub.f32 v10, v9;
	v10 =	vmin.f32 v7, v10  }
0xfd: {  	v61 =	vsub.f32 v12, v11;
	v11 =	vmax.f32 v6, v11;
	v12 =	vmin.f32 v8, v12  }
0xfe: {  	v10 =	vsub.f32 v10, v15;
	v11 =	vsub.f32 v12, v11;
	v13 =	vmax.f32 v13, $0.0e+00  }
0xff: {  	v14 =	vmax.f32 v14, $0.0e+00;
	v62 =	vmax.f32 v9, $0.0e+00;
	v15 =	vmax.f32 v61, $0.0e+00  }
0x100: {  	v9 =	vmul.f32 v14, v13;
	v12 =	vmul.f32 v15, v62  }
0x101: {  	v10 =	vmax.f32 v10, $0.0e+00;
	v11 =	vmax.f32 v11, $0.0e+00  }
0x102: {  	v10 =	vmul.f32 v11, v10;
	v11 =	vadd.f32 v12, v9;
	_ =	sdelay $0x1  }
0x103: {  	v11 =	vsub.f32 v11, v10;
	_ =	sdelay $0x1  }
0x104: {  	v11 =	vmax.f32 v11, $9.999999710e-10  }
0x105: {  	(erf) = vrcp.f32 v11;
	_ =	sdelay $0x6  }
0x106: {  	s30 =	simm.s32 $0xF000  }
0x107: {  	v11 =	vld [tilespmem:s30+$0x0]  }
0x108: {  	p2 =	seq.s32 s15, $0x1;
	v63 =	vpop (erf)  }
.Ltmp15:
0x109: {  	v10 =	vmul.f32 v63, v10;
	(pc) =	sbr.rel @p2 .LBB2_41-.Ltmp15, $4  }
0x10a: {  	_ = 	snop  }
0x10b: {  	vm0 =	vgt.f32 v10, v4  }
0x10c: {  	s16 =	simm.s32 $0x0;
	s19 =	simm.s32 $0xC800;
	s18 =	simm.s32 $0x1;
	v10 =	vsel vm0, $0x0, v11  }
0x10d: {  	p1 =	por $0x0, $0x0;
	s17 =	simm.f32 $-1.000000020e+30;
	s1 =	simm.s32 $0x7810;
	[tilespmem:s30+$0x0] =	vst v10;
	vm0 =	vgt.f32 v10, $5.000000000e-01  }
0x10e: {  	v10 =	vld [tilespmem:s1+$0x0];
	s1 =	simm.s32 $0xA010  }
0x10f: {  	s21 =	simm.s32 $0x8C10;
	v11 =	vld [tilespmem:s1+$0x0]  }
0x110: {  	s25 =	simm.s32 $0xB410;
	v12 =	vld [tilespmem:s21+$0x0]  }
0x111: {  	v13 =	vld [tilespmem:s25+$0x0];
	_ =	sdelay $0x3  }
0x112: {  	v14 =	vmax.f32 v5, v10  }
0x113: {  	v15 =	vmin.f32 v7, v11;
	v10 =	vsub.f32 v11, v10;
	v11 =	vsub.f32 v13, v12  }
0x114: {  	v12 =	vmax.f32 v6, v12;
	v13 =	vmin.f32 v8, v13;
	v14 =	vsub.f32 v15, v14  }
0x115: {  	v12 =	vsub.f32 v13, v12;
	v10 =	vmax.f32 v10, $0.0e+00;
	v11 =	vmax.f32 v11, $0.0e+00  }
0x116: {  	v10 =	vmul.f32 v11, v10  }
0x117: {  	v11 =	vmax.f32 v14, $0.0e+00;
	v12 =	vmax.f32 v12, $0.0e+00  }
0x118: {  	v11 =	vmul.f32 v12, v11;
	v10 =	vadd.f32 v10, v9;
	_ =	sdelay $0x1  }
0x119: {  	v10 =	vsub.f32 v10, v11;
	_ =	sdelay $0x1  }
0x11a: {  	v10 =	vmax.f32 v10, $9.999999710e-10  }
0x11b: {  	(erf) = vrcp.f32 v10;
	_ =	sdelay $0x1  }
0x11c: {  	v10 =	vld [tilespmem:s19+$0x0];
	_ =	sdelay $0x4  }
0x11d: {  	v10 =	vnsel vm0, $0xF149F2CA, v10  }
0x11e: {  	(xrf0) =	vmax.scan.msk.f32 $0xffff, v10  }
0x11f: {  	v63 =	vpop (erf)  }
0x120: {  	v11 =	vmul.f32 v63, v11;
	_ =	sdelay $0x3  }
0x121: {  	vm0 =	vgt.f32 v11, v4;
	v11, _, _ =	vpop (xrf0)  }
0x122: {  	(v2sf) =	vpush v11, $0xF;
	_ =	sdelay $0x5  }
0x123: {  	s30 =	simm.s32 $0xF010  }
0x124: {  	v10 =	vld [tilespmem:s30+$0x0]  }
0x125: {  	p2 =	seq.s32 s15, $0x2  }
.Ltmp16:
0x126: {  	_ = 	snop;
	(pc) =	sbr.rel @p2 .LBB2_43-.Ltmp16, $4  }
0x127: {  	_ = 	snop  }
0x128: {  	s3 =	simm.s32 $0x2  }
0x129: {  	s6 =	simm.s32 $0x7820;
	p1 =	por $0x1, $0x1;
	s26 =	simm.f32 $-1.000000020e+30;
	v10 =	vsel vm0, $0x0, v10  }
0x12a: {  	s5 =	simm.s32 $0xC800;
	s28 =	simm.s32 $0x0;
	s29 =	simm.s32 $0x0;
	[tilespmem:s30+$0x0] =	vst v10;
	vm0 =	vgt.f32 v10, $5.000000000e-01  }
.LBB2_44:
0x12b: {  	v10 =	vld [tilespmem:s6+$0x0];
	s1 =	sadd.s32 $0x10, s1;
	s7 =	smov.u32 s3  }
0x12c: {  	s21 =	sadd.s32 $0x10, s21;
	v11 =	vld [tilespmem:s1+$0x0];
	s8 =	spop (v2sf)  }
0x12d: {  	s25 =	sadd.s32 $0x10, s25;
	v12 =	vld [tilespmem:s21+$0x0];
	p3 =	sgt.f32 s8, s26  }
0x12e: {  	s3 =	sadd.s32 $0x1, s3;
	s5 =	sadd.s32 $0x10, s5;
	v13 =	vld [tilespmem:s25+$0x0]  }
0x12f: {  	p2 =	seq.s32 s15, s3;
	v14 =	vld [tilespmem:s5+$0x0];
	s26 =	smov.u32 @p3 s8;
	s29 =	smov.u32 @p3 s28  }
0x130: {  	s28 =	smov.u32 s18;
	s18 =	smov.u32 s7;
	_ =	sdelay $0x1  }
0x131: {  	v15 =	vmax.f32 v5, v10  }
0x132: {  	v16 =	vmin.f32 v7, v11;
	v10 =	vsub.f32 v11, v10;
	v11 =	vsub.f32 v13, v12  }
0x133: {  	v15 =	vsub.f32 v16, v15;
	v12 =	vmax.f32 v6, v12;
	v13 =	vmin.f32 v8, v13  }
0x134: {  	v10 =	vmax.f32 v10, $0.0e+00;
	v12 =	vsub.f32 v13, v12;
	v11 =	vmax.f32 v11, $0.0e+00  }
0x135: {  	v10 =	vmul.f32 v11, v10;
	v11 =	vnsel vm0, $0xF149F2CA, v14  }
0x136: {  	v13 =	vmax.f32 v15, $0.0e+00;
	v12 =	vmax.f32 v12, $0.0e+00;
	(xrf0) =	vmax.scan.msk.f32 $0xffff, v11  }
0x137: {  	v11 =	vmul.f32 v12, v13;
	v10 =	vadd.f32 v10, v9;
	_ =	sdelay $0x1  }
0x138: {  	v13 =	vsub.f32 v10, v11;
	_ =	sdelay $0x1  }
0x139: {  	v12 =	vmax.f32 v13, $9.999999710e-10  }
0x13a: {  	(erf) = vrcp.f32 v12;
	v10, _, _ =	vpop (xrf0)  }
0x13b: {  	(v2sf) =	vpush v10, $0xF;
	_ =	sdelay $0x5  }
0x13c: {  	s30 =	sadd.s32 $0x10, s30  }
0x13d: {  	v10 =	vld [tilespmem:s30+$0x0]  }
0x13e: {  	v12 =	vpop (erf)  }
.Ltmp17:
0x13f: {  	v11 =	vmul.f32 v12, v11;
	(pc) =	sbr.rel @!p2 .LBB2_44-.Ltmp17, $4  }
0x140: {  	_ = 	snop  }
0x141: {  	vm0 =	vgt.f32 v11, v4  }
0x142: {  	v10 =	vsel vm0, $0x0, v10  }
0x143: {  	s6 =	sadd.s32 $0x10, s6;
	[tilespmem:s30+$0x0] =	vst v10;
	vm0 =	vgt.f32 v10, $5.000000000e-01  }
.LBB2_45:
0x144: {  	s1 =	sadd.s32 @p1 $0x10, s5  }
0x145: {  	s19 =	smov.u32 @p1 s1  }
0x146: {  	v5 =	vld [tilespmem:s19+$0x0];
	_ =	sdelay $0x4  }
0x147: {  	v5 =	vnsel vm0, $0xF149F2CA, v5  }
0x148: {  	(xrf0) =	vmax.scan.msk.f32 $0xffff, v5;
	_ =	sdelay $0x5  }
0x149: {  	v5, _, _ =	vpop (xrf0)  }
0x14a: {  	(v2sf) =	vpush v5, $0xF;
	_ =	sdelay $0x9  }
0x14b: {  	s1 =	spop @p1 (v2sf)  }
0x14c: {  	p2 =	sgt.f32 @p1 s1, s26;
	_ =	sdelay $0x1  }
0x14d: {  	p2 =	por !p2, !p1  }
0x14e: {  	s1 =	smov.u32 @p2 s26  }
0x14f: {  	s17 =	smov.u32 @p1 s1;
	s1 =	spop (v2sf)  }
0x150: {  	s28 =	smov.u32 @p2 s29;
	p2 =	sgt.f32 s1, s17  }
0x151: {  	s16 =	smov.u32 @p1 s28  }
0x152: {  	s17 =	smov.u32 @p2 s1;
	s16 =	smov.u32 @p2 s18  }
0x153: {  	p1 =	sgt.f32 s17, $-1.000000020e+29  }
.Ltmp18:
0x154: {  	_ = 	snop;
	(pc) =	sbr.rel @p1 .LBB2_40-.Ltmp18, $4  }
.Ltmp19:
0x155: {  	_ = 	snop;
	(pc) =	sbr.rel @!p1 .LBB2_20-.Ltmp19, $4  }
0x156: {  	_ = 	snop  }
0x157: {  	_ = 	snop  }
0x158: {  	_ = 	snop  }
0x159: {  	_ = 	snop  }
.LBB2_41:
.Ltmp20:
0x15a: {  	(pc) =	sbr.rel .LBB2_45-.Ltmp20, $3  }
0x15b: {  	_ =	sdelay $0x1  }
0x15c: {  	s26 =	simm.f32 $-1.000000020e+30  }
0x15d: {  	s5 =	simm.s32 $0xC800;
	s29 =	simm.s32 $0x0;
	s18 =	simm.s32 $0x0  }
.LBB2_43:
.Ltmp21:
0x15e: {  	(pc) =	sbr.rel .LBB2_45-.Ltmp21, $3  }
0x15f: {  	_ =	sdelay $0x1  }
0x160: {  	s26 =	simm.f32 $-1.000000020e+30  }
0x161: {  	s5 =	simm.s32 $0xC800;
	s28 =	simm.s32 $0x0;
	s29 =	simm.s32 $0x0  }
.LBB2_10:
.Ltmp22:
0x162: {  	(pc) =	sbr.rel .LBB2_19-.Ltmp22, $2  }
0x163: {  	_ =	sdelay $0x2  }
0x164: {  	s5 =	simm.f32 $-1.000000020e+30;
	s6 =	simm.s32 $0x0;
	s18 =	simm.s32 $0x0  }
.LBB2_12:
.Ltmp23:
0x165: {  	(pc) =	sbr.rel .LBB2_19-.Ltmp23, $2  }
0x166: {  	_ =	sdelay $0x2  }
0x167: {  	s5 =	simm.f32 $-1.000000020e+30;
	s6 =	simm.s32 $0x0;
	s1 =	simm.s32 $0x0  }
.LBB2_14:
.Ltmp24:
0x168: {  	(pc) =	sbr.rel .LBB2_19-.Ltmp24, $3  }
0x169: {  	_ =	sdelay $0x1  }
0x16a: {  	s5 =	simm.f32 $-1.000000020e+30;
	s6 =	simm.s32 $0x0  }
0x16b: {  	s21 =	simm.s32 $0x0;
	s1 =	simm.s32 $0x1;
	s18 =	simm.s32 $0x2  }
.LBB2_16:
.Ltmp25:
0x16c: {  	(pc) =	sbr.rel .LBB2_19-.Ltmp25, $3  }
0x16d: {  	_ =	sdelay $0x1  }
0x16e: {  	s5 =	simm.f32 $-1.000000020e+30;
	s3 =	simm.s32 $0x0  }
0x16f: {  	s6 =	simm.s32 $0x0;
	s21 =	simm.s32 $0x1;
	s18 =	simm.s32 $0x3  }
.LBB2_22:
0x170: {  	s1 =	rddreg [dreg:$0x9]  }
0x171: {  	[tilespmem:s0], [sflag:$0x1] =	stream.strided.gather [spmem:s1], $0x1400, s24, s23, $0x38;
	[tilespmem:$0x14080] =	vst v63  }
0x172: {  	_ =	swait.ge [sflag:s22], $0x1400  }
0x173: {  	[sflag:s22] =	ssyncset.done $0x0  }
0x174: {  	s1 =	simm.s32 $0x0;
	[sflag:s22] =	ssyncadd.s32 $0xFFFFEC00  }
0x175: {  	s3 =	simm.s32 $0x40;
	v4 =	vld [tilespmem:s1+$0x11800]  }
.LBB2_23:
0x176: {  	p1 =	sne.s32 s3, $0x4FC0;
	v5 =	vld [tilespmem:s1+$0x10400];
	_ =	sdelay $0x1  }
.Ltmp26:
0x177: {  	(pc) =	sbr.rel @p1 .LBB2_23-.Ltmp26, $3  }
0x178: {  	_ =	sdelay $0x1  }
0x179: {  	s5 =	sshra.s32 s3, $0x2;
	v5 =	vor.u32 v5, v4  }
0x17a: {  	s3 =	sadd.s32 $0x40, s3;
	v4 =	vld [tilespmem:s5+$0x11800];
	[tilespmem:s1+$0x10400] =	vst v5;
	s1 =	smov.u32 s5  }
0x17b: {  	v5 =	vld [tilespmem:s1+$0x10400];
	_ =	sdelay $0x4  }
0x17c: {  	v4 =	vor.u32 v5, v4  }
0x17d: {  	s30 =	rddreg [dreg:$0xa];
	[tilespmem:s1+$0x10400] =	vst v4  }
0x17e: {  	[tilespmem:s0], [sflag:$0x1] =	stream.strided.gather [spmem:s30], $0x1400, s24, s23, $0x38;
	[tilespmem:$0x14080] =	vst v63  }
0x17f: {  	_ =	swait.ge [sflag:s22], $0x1400  }
0x180: {  	[sflag:s22] =	ssyncset.done $0x0  }
0x181: {  	s1 =	simm.s32 $0x0;
	[sflag:s22] =	ssyncadd.s32 $0xFFFFEC00  }
0x182: {  	s3 =	simm.s32 $0x40;
	v4 =	vld [tilespmem:s1+$0x11800]  }
.LBB2_25:
0x183: {  	p1 =	sne.s32 s3, $0x4FC0;
	v5 =	vld [tilespmem:s1+$0x10400];
	_ =	sdelay $0x1  }
.Ltmp27:
0x184: {  	(pc) =	sbr.rel @p1 .LBB2_25-.Ltmp27, $3  }
0x185: {  	_ =	sdelay $0x1  }
0x186: {  	s5 =	sshra.s32 s3, $0x2;
	v5 =	vor.u32 v5, v4  }
0x187: {  	s3 =	sadd.s32 $0x40, s3;
	v4 =	vld [tilespmem:s5+$0x11800];
	[tilespmem:s1+$0x10400] =	vst v5;
	s1 =	smov.u32 s5  }
0x188: {  	v5 =	vld [tilespmem:s1+$0x10400];
	_ =	sdelay $0x4  }
0x189: {  	v4 =	vor.u32 v5, v4  }
0x18a: {  	s30 =	rddreg [dreg:$0xb];
	[tilespmem:s1+$0x10400] =	vst v4  }
0x18b: {  	[tilespmem:s0], [sflag:$0x1] =	stream.strided.gather [spmem:s30], $0x1400, s24, s23, $0x38;
	[tilespmem:$0x14080] =	vst v63  }
0x18c: {  	_ =	swait.ge [sflag:s22], $0x1400  }
0x18d: {  	[sflag:s22] =	ssyncset.done $0x0  }
0x18e: {  	s1 =	simm.s32 $0x0;
	[sflag:s22] =	ssyncadd.s32 $0xFFFFEC00  }
0x18f: {  	s3 =	simm.s32 $0x40;
	v4 =	vld [tilespmem:s1+$0x11800]  }
.LBB2_27:
0x190: {  	p1 =	sne.s32 s3, $0x4FC0;
	v5 =	vld [tilespmem:s1+$0x10400];
	_ =	sdelay $0x1  }
.Ltmp28:
0x191: {  	(pc) =	sbr.rel @p1 .LBB2_27-.Ltmp28, $3  }
0x192: {  	_ =	sdelay $0x1  }
0x193: {  	s5 =	sshra.s32 s3, $0x2;
	v5 =	vor.u32 v5, v4  }
0x194: {  	s3 =	sadd.s32 $0x40, s3;
	v4 =	vld [tilespmem:s5+$0x11800];
	[tilespmem:s1+$0x10400] =	vst v5;
	s1 =	smov.u32 s5  }
0x195: {  	v5 =	vld [tilespmem:s1+$0x10400];
	_ =	sdelay $0x4  }
0x196: {  	v4 =	vor.u32 v5, v4  }
0x197: {  	s30 =	rddreg [dreg:$0xc];
	[tilespmem:s1+$0x10400] =	vst v4  }
0x198: {  	[tilespmem:s0], [sflag:$0x1] =	stream.strided.gather [spmem:s30], $0x1400, s24, s23, $0x38;
	[tilespmem:$0x14080] =	vst v63  }
0x199: {  	_ =	swait.ge [sflag:s22], $0x1400  }
0x19a: {  	[sflag:s22] =	ssyncset.done $0x0  }
0x19b: {  	s1 =	simm.s32 $0x0;
	[sflag:s22] =	ssyncadd.s32 $0xFFFFEC00  }
0x19c: {  	s3 =	simm.s32 $0x40;
	v4 =	vld [tilespmem:s1+$0x11800]  }
.LBB2_29:
0x19d: {  	p1 =	sne.s32 s3, $0x4FC0;
	v5 =	vld [tilespmem:s1+$0x10400];
	_ =	sdelay $0x1  }
.Ltmp29:
0x19e: {  	(pc) =	sbr.rel @p1 .LBB2_29-.Ltmp29, $3  }
0x19f: {  	_ =	sdelay $0x1  }
0x1a0: {  	s5 =	sshra.s32 s3, $0x2;
	v5 =	vor.u32 v5, v4  }
0x1a1: {  	s3 =	sadd.s32 $0x40, s3;
	v4 =	vld [tilespmem:s5+$0x11800];
	[tilespmem:s1+$0x10400] =	vst v5;
	s1 =	smov.u32 s5  }
0x1a2: {  	v5 =	vld [tilespmem:s1+$0x10400];
	_ =	sdelay $0x4  }
0x1a3: {  	v4 =	vor.u32 v5, v4  }
0x1a4: {  	s30 =	rddreg [dreg:$0xd];
	[tilespmem:s1+$0x10400] =	vst v4  }
0x1a5: {  	[tilespmem:s0], [sflag:$0x1] =	stream.strided.gather [spmem:s30], $0x1400, s24, s23, $0x38;
	[tilespmem:$0x14080] =	vst v63  }
0x1a6: {  	_ =	swait.ge [sflag:s22], $0x1400  }
0x1a7: {  	[sflag:s22] =	ssyncset.done $0x0  }
0x1a8: {  	s1 =	simm.s32 $0x0;
	[sflag:s22] =	ssyncadd.s32 $0xFFFFEC00  }
0x1a9: {  	s3 =	simm.s32 $0x40;
	v4 =	vld [tilespmem:s1+$0x11800]  }
.LBB2_31:
0x1aa: {  	p1 =	sne.s32 s3, $0x4FC0;
	v5 =	vld [tilespmem:s1+$0x10400];
	_ =	sdelay $0x1  }
.Ltmp30:
0x1ab: {  	(pc) =	sbr.rel @p1 .LBB2_31-.Ltmp30, $3  }
0x1ac: {  	_ =	sdelay $0x1  }
0x1ad: {  	s5 =	sshra.s32 s3, $0x2;
	v5 =	vor.u32 v5, v4  }
0x1ae: {  	s3 =	sadd.s32 $0x40, s3;
	v4 =	vld [tilespmem:s5+$0x11800];
	[tilespmem:s1+$0x10400] =	vst v5;
	s1 =	smov.u32 s5  }
0x1af: {  	v5 =	vld [tilespmem:s1+$0x10400];
	_ =	sdelay $0x4  }
0x1b0: {  	v4 =	vor.u32 v5, v4  }
0x1b1: {  	s30 =	rddreg [dreg:$0xe];
	[tilespmem:s1+$0x10400] =	vst v4  }
0x1b2: {  	[tilespmem:s0], [sflag:$0x1] =	stream.strided.gather [spmem:s30], $0x1400, s24, s23, $0x38;
	[tilespmem:$0x14080] =	vst v63  }
0x1b3: {  	_ =	swait.ge [sflag:s22], $0x1400  }
0x1b4: {  	[sflag:s22] =	ssyncset.done $0x0  }
0x1b5: {  	s1 =	simm.s32 $0x0;
	[sflag:s22] =	ssyncadd.s32 $0xFFFFEC00  }
0x1b6: {  	s3 =	simm.s32 $0x40;
	v4 =	vld [tilespmem:s1+$0x11800]  }
.LBB2_33:
0x1b7: {  	p1 =	sne.s32 s3, $0x4FC0;
	v5 =	vld [tilespmem:s1+$0x10400];
	_ =	sdelay $0x1  }
.Ltmp31:
0x1b8: {  	(pc) =	sbr.rel @p1 .LBB2_33-.Ltmp31, $3  }
0x1b9: {  	_ =	sdelay $0x1  }
0x1ba: {  	s5 =	sshra.s32 s3, $0x2;
	v5 =	vor.u32 v5, v4  }
0x1bb: {  	s3 =	sadd.s32 $0x40, s3;
	v4 =	vld [tilespmem:s5+$0x11800];
	[tilespmem:s1+$0x10400] =	vst v5;
	s1 =	smov.u32 s5  }
0x1bc: {  	v5 =	vld [tilespmem:s1+$0x10400];
	_ =	sdelay $0x4  }
0x1bd: {  	v4 =	vor.u32 v5, v4  }
0x1be: {  	s30 =	rddreg [dreg:$0xf];
	[tilespmem:s1+$0x10400] =	vst v4  }
0x1bf: {  	[tilespmem:s0], [sflag:$0x1] =	stream.strided.gather [spmem:s30], $0x1400, s24, s23, $0x38;
	[tilespmem:$0x14080] =	vst v63  }
0x1c0: {  	_ =	swait.ge [sflag:s22], $0x1400  }
0x1c1: {  	[sflag:s22] =	ssyncset.done $0x0  }
0x1c2: {  	s1 =	simm.s32 $0x0;
	[sflag:s22] =	ssyncadd.s32 $0xFFFFEC00  }
0x1c3: {  	s3 =	simm.s32 $0x40;
	v4 =	vld [tilespmem:s1+$0x11800]  }
.LBB2_35:
0x1c4: {  	p1 =	sne.s32 s3, $0x4FC0;
	v5 =	vld [tilespmem:s1+$0x10400];
	_ =	sdelay $0x1  }
.Ltmp32:
0x1c5: {  	(pc) =	sbr.rel @p1 .LBB2_35-.Ltmp32, $3  }
0x1c6: {  	_ =	sdelay $0x1  }
0x1c7: {  	s5 =	sshra.s32 s3, $0x2;
	v5 =	vor.u32 v5, v4  }
0x1c8: {  	s3 =	sadd.s32 $0x40, s3;
	v4 =	vld [tilespmem:s5+$0x11800];
	[tilespmem:s1+$0x10400] =	vst v5;
	s1 =	smov.u32 s5  }
0x1c9: {  	v5 =	vld [tilespmem:s1+$0x10400];
	_ =	sdelay $0x4  }
0x1ca: {  	v4 =	vor.u32 v5, v4  }
.Ltmp33:
0x1cb: {  	s30 =	rddreg [dreg:$0x10];
	s3 =	simm.s32 $0x200;
	[tilespmem:s1+$0x10400] =	vst v4;
	(pc) =	sbr.rel .LBB2_37-.Ltmp33, $4  }
0x1cc: {  	[hbm4b:s30+s23] =	stream.strided.scatter [tilespmem:s2], [sflag:$0x1], $0x1400, s3, s23, $0x38;
	[tilespmem:$0x14080] =	vst v63  }
0x1cd: {  	_ =	swait.ge [sflag:s22], $0x1400  }
0x1ce: {  	[sflag:s22] =	ssyncset.done $0x0  }
0x1cf: {  	[sflag:s22] =	ssyncadd.s32 $0xFFFFEC00  }
.LBB2_38:
0x1d0: {  	_ =	sfence.sel $0x180000  }
0x1d1: {  	[bflag:$0x0] =	sbarrier.arrive $0xFFFF  }
0x1d2: {  	_ =	strace $0x90000047  }
0x1d3: {  	s0 =	stileid.u32;
	[bflag:$0x2] =	sbarrier.arrive $0xFFFF  }
0x1d4: {  	p0 =	sne.s32 s0, $0x0;
	s0 =	rddreg [dreg:$0x4]  }
0x1d5: {  	s0 =	sadd.s32 @!p0 $0x100000, s0  }
0x1d6: {  	[sflag:s0] =	ssyncadd.tile.s32 @!p0 $0x1;
	_ =	shalt  }
.Lfunc_end2:
_tile_overlayer_lowered:
.L_overlay_start_2:
0x1d7: {  	(tag) =	ssettag $0x2  }
0x1d8: {  	s0 =	rddreg [dreg:$0x0];
	s2 =	stileid.u32  }
0x1d9: {  	s1 =	rddreg [dreg:$0x1];
	p0 =	sne.s32 s2, $0x0  }
0x1da: {  	s3 =	rddreg [dreg:$0x2];
	[bflag:$0x3] =	sbarrier.arrive $0xFFFF;
	s2 =	simm.s32 @!p0 $0x1C01  }
0x1db: {  	[timem:s3], [sflag:s2] =	dma.local @!p0 [hbm:s0], s1  }
0x1dc: {  	s0 =	simm.s32 @!p0 $0x1  }
0x1dd: {  	_ =	swait.ge @!p0 [sflag:s0], s1  }
0x1de: {  	s1 =	ssub.s32 @!p0 $0x0, s1;
	[sflag:s0] =	ssyncset.done @!p0 $0x0  }
0x1df: {  	[sflag:s0] =	ssyncadd.s32 @!p0 s1  }
0x1e0: {  	[bflag:$0x3] =	sbarrier.arrive $0xFFFF  }
0x1e1: {  	_ =	shalt  }

</sc_bundles>
